<compile_context>
chip_gen: v7x
topology: tpu7x:2x2x1
jax: 0.10.2.dev20260603
libtpu: 0.0.44.dev20260713+nightly
codegen_flags: <defaults>
</compile_context>

<pallas_src>
import functools

import numpy as np
import jax
import jax.numpy as jnp
from jax import lax
from jax.experimental import pallas as pl
from jax.experimental.pallas import tpu as pltpu
from jax.experimental.pallas import tpu_sc as plsc

N_OBJ, N_DIM, N_SETS, N_NODE, B = 16, 1024, 8, 1024, 4096
BLK = 512
G = B // BLK + N_SETS
GB = G * BLK


def _mlp_body(meta_ref, x_ref, w1_ref, b1_ref, w2_ref, b2_ref, wh_ref,
              bh_ref, o_ref):
    gid = pl.program_id(0)

    @pl.when(gid < meta_ref[G])
    def _():
        x = x_ref[...]
        h = jnp.dot(x, w1_ref[...], preferred_element_type=jnp.float32)
        h = jnp.maximum(h + b1_ref[...], 0.0)
        h = jnp.dot(h, w2_ref[...], preferred_element_type=jnp.float32)
        h = jnp.maximum(h + b2_ref[...], 0.0)
        o = lax.dot_general(h, wh_ref[0], (((1,), (1,)), ((), ())),
                            preferred_element_type=jnp.float32)
        o_ref[...] = jax.nn.sigmoid(o + bh_ref[0])


_SC_INFO = plsc.get_sparse_core_info()
_NW = _SC_INFO.num_cores * _SC_INFO.num_subcores
_RPW = B // _NW
_CH = 16
_NCHUNK = _RPW // _CH


def _unsort_body(table_hbm, idx_hbm, out_hbm, idx_v, rows_v0, rows_v1,
                 sem0, sem1):
    wid = lax.axis_index("s") * _SC_INFO.num_cores + lax.axis_index("c")
    base = wid * _RPW
    pltpu.sync_copy(idx_hbm.at[pl.ds(base, _RPW)], idx_v)
    bufs = (rows_v0, rows_v1)
    sems = (sem0, sem1)
    copies = []
    for c in range(_NCHUNK):
        copies.append(pltpu.async_copy(
            table_hbm.at[idx_v.at[pl.ds(c * _CH, _CH)]], bufs[c % 2],
            sems[c % 2]))
        if c >= 1:
            copies[c - 1].wait()
            pltpu.sync_copy(bufs[(c - 1) % 2],
                            out_hbm.at[pl.ds(base + (c - 1) * _CH, _CH)])
    copies[_NCHUNK - 1].wait()
    pltpu.sync_copy(bufs[(_NCHUNK - 1) % 2],
                    out_hbm.at[pl.ds(base + (_NCHUNK - 1) * _CH, _CH)])


_unsort_call = functools.partial(
    pl.kernel,
    mesh=plsc.VectorSubcoreMesh(core_axis_name="c", subcore_axis_name="s"),
    out_type=jax.ShapeDtypeStruct((B, N_DIM), jnp.float32),
    scratch_types=[
        pltpu.VMEM((_RPW,), jnp.int32),
        pltpu.VMEM((_CH, N_DIM), jnp.float32),
        pltpu.VMEM((_CH, N_DIM), jnp.float32),
        pltpu.SemaphoreType.DMA,
        pltpu.SemaphoreType.DMA,
    ],
)(_unsort_body)


_I0 = np.int32(0)

_grid_spec = pltpu.PrefetchScalarGridSpec(
    num_scalar_prefetch=1,
    grid=(G,),
    in_specs=[
        pl.BlockSpec((BLK, N_OBJ), lambda g, meta: (g, _I0)),
        pl.BlockSpec((N_OBJ, N_NODE), lambda g, meta: (_I0, _I0)),
        pl.BlockSpec((1, N_NODE), lambda g, meta: (_I0, _I0)),
        pl.BlockSpec((N_NODE, N_NODE), lambda g, meta: (_I0, _I0)),
        pl.BlockSpec((1, N_NODE), lambda g, meta: (_I0, _I0)),
        pl.BlockSpec((1, N_DIM, N_NODE), lambda g, meta: (meta[g], _I0, _I0)),
        pl.BlockSpec((1, 1, N_DIM), lambda g, meta: (meta[g], _I0, _I0)),
    ],
    out_specs=pl.BlockSpec((BLK, N_DIM), lambda g, meta: (g, _I0)),
)

_mlp_call = pl.pallas_call(
    _mlp_body,
    grid_spec=_grid_spec,
    out_shape=jax.ShapeDtypeStruct((GB, N_DIM), jnp.float32),
    compiler_params=pltpu.CompilerParams(
        dimension_semantics=("arbitrary",)),
)


@jax.jit
def kernel(pref, ps_id, W1, b1, W2, b2, Wh, bh):
    ps = ps_id.astype(jnp.int32)
    pref = pref.astype(jnp.float32)

    onehot = (ps[:, None] == jnp.arange(N_SETS, dtype=jnp.int32)[None, :]
              ).astype(jnp.int32)
    csum = jnp.cumsum(onehot, axis=0)
    counts = csum[-1]
    rank = jnp.sum(csum * onehot, axis=1) - 1

    nblk = (counts + BLK - 1) // BLK
    blk_cum0 = jnp.concatenate([jnp.zeros((1,), nblk.dtype),
                                jnp.cumsum(nblk)])
    my_base = jnp.sum(onehot * blk_cum0[None, :N_SETS], axis=1)
    slot = ((my_base + rank // BLK) * BLK + rank % BLK
            ).astype(jnp.int32)

    g = jnp.arange(G)
    bset = (jnp.sum(g[:, None] >= blk_cum0[None, 1:], axis=1)
            ).clip(0, N_SETS - 1)
    meta = jnp.concatenate([bset, blk_cum0[-1:]]).astype(jnp.int32)

    pref_sorted = jnp.zeros((GB, N_OBJ), jnp.float32).at[slot].set(pref)

    out_sorted = _mlp_call(
        meta, pref_sorted,
        W1.T.astype(jnp.float32),
        b1.reshape(1, N_NODE).astype(jnp.float32),
        W2.T.astype(jnp.float32),
        b2.reshape(1, N_NODE).astype(jnp.float32),
        Wh.astype(jnp.float32),
        bh.reshape(N_SETS, 1, N_DIM).astype(jnp.float32),
    )

    return _unsort_call(out_sorted, slot).astype(jnp.float64)

# --- scband reference (transcript-rebuilt; emitter-appended) ---
"""Pipeline reference for scband-multi-head-pareto-set-model-63067299774889 (READ-ONLY COPY).

The authoritative reference and input builder live on the scoring server;
editing this copy changes nothing except your own understanding.
"""

import jax, jax.numpy as jnp
import numpy as np
jax.config.update("jax_enable_x64", True)

N_OBJ, N_DIM, N_SETS, N_NODE, B = 16, 1024, 8, 1024, 4096

def _lin(k, fan_in, shape):
    bound = 1.0 / np.sqrt(fan_in)
    return jax.random.uniform(k, shape, jnp.float32, -bound, bound)

def setup_inputs(seed: int = 0):
    key = jax.random.key(seed)
    ks = jax.random.split(key, 8)
    pref = jax.random.uniform(ks[0], (B, N_OBJ), jnp.float32)
    ps_id = jax.random.randint(ks[1], (B,), 0, N_SETS).astype(jnp.int64)
    W1 = _lin(ks[2], N_OBJ, (N_NODE, N_OBJ))
    b1 = _lin(ks[3], N_OBJ, (N_NODE,))
    W2 = _lin(ks[4], N_NODE, (N_NODE, N_NODE))
    b2 = _lin(ks[5], N_NODE, (N_NODE,))
    Wh = _lin(ks[6], N_NODE, (N_SETS, N_DIM, N_NODE))
    bh = _lin(ks[7], N_NODE, (N_SETS, N_DIM))
    return {"pref": pref, "ps_id": ps_id, "W1": W1, "b1": b1, "W2": W2, "b2": b2, "Wh": Wh, "bh": bh}

def reference(pref, ps_id, W1, b1, W2, b2, Wh, bh):
    x = jax.nn.relu(pref @ W1.T + b1)
    x = jax.nn.relu(x @ W2.T + b2)
    # compute every head, then route each sample to its head output (top_k=1 hard routing)
    out_all = jnp.einsum("bn,sdn->bsd", x, Wh) + bh[None, :, :]  # [B, n_sets, n_dim]
    out = jnp.take_along_axis(out_all, ps_id[:, None, None], axis=1)[:, 0, :]
    return jax.nn.sigmoid(out).astype(jnp.float64)

if __name__ == "__main__":
    import jax
    _d = setup_inputs()
    print(jax.jit(kernel)(*tuple(_d.values())))

</pallas_src>

<mosaic_0001>
#map = affine_map<(d0, d1) -> (0, 0)>
#map1 = affine_map<(d0, d1) -> (0)>
module attributes {stable_mosaic.version = 14 : i64} {
  func.func @_unsort_body(%arg0: i32, %arg1: i32, %arg2: memref<8192x1024xf32, #tpu.memory_space<hbm>>, %arg3: memref<4096xi32, #tpu.memory_space<hbm>>, %arg4: memref<4096x1024xf32, #tpu.memory_space<hbm>>, %arg5: memref<128xi32, #tpu.memory_space<vmem>>, %arg6: memref<16x1024xf32, #tpu.memory_space<vmem>>, %arg7: memref<16x1024xf32, #tpu.memory_space<vmem>>, %arg8: memref<!tpu.dma_semaphore, #tpu.memory_space<semaphore_mem>>, %arg9: memref<!tpu.dma_semaphore, #tpu.memory_space<semaphore_mem>>) attributes {dimension_semantics = [#tpu.dimension_semantics<core_parallel>, #tpu.dimension_semantics<subcore_parallel>], iteration_bounds = array<i64: 2, 16>, scalar_prefetch = 0 : i64, scratch_operands = 5 : i64, tpu.core_type = #tpu.core_type<sc_vector_subcore>, window_params = [{transform_indices = #map}, {transform_indices = #map1}, {transform_indices = #map}]} {
    %mul3A = arith.constant 2 : i32
    %mul3A_0 = arith.muli %arg1, %mul3A : i32
    %add3A = arith.addi %mul3A_0, %arg0 : i32
    %mul3A_1 = arith.constant 128 : i32
    %mul3A_2 = arith.muli %add3A, %mul3A_1 : i32
    "tpu.region"() ({
      %run_scoped3A = tpu.sem_alloc : memref<!tpu.dma_semaphore, #tpu.memory_space<semaphore_mem>>
      %dma_start3A_97 = tpu.memref_slice %arg3[%mul3A_2] : memref<4096xi32, #tpu.memory_space<hbm>> -> memref<128xi32, #tpu.memory_space<hbm>>
      %dma_start3A_98 = tpu.memref_slice %arg3[%mul3A_2] : memref<4096xi32, #tpu.memory_space<hbm>> -> memref<128xi32, #tpu.memory_space<hbm>>
      tpu.enqueue_dma source(%dma_start3A_98 : memref<128xi32, #tpu.memory_space<hbm>>) target(%arg5 : memref<128xi32, #tpu.memory_space<vmem>>) target_semaphore(%run_scoped3A : memref<!tpu.dma_semaphore, #tpu.memory_space<semaphore_mem>>)
      %dma_wait3A_99 = tpu.memref_slice %arg3[%mul3A_2] : memref<4096xi32, #tpu.memory_space<hbm>> -> memref<128xi32, #tpu.memory_space<hbm>>
      %dma_wait3A_100 = tpu.memref_slice %arg3[%mul3A_2] : memref<4096xi32, #tpu.memory_space<hbm>> -> memref<128xi32, #tpu.memory_space<hbm>>
      tpu.wait_dma2 semaphore(%run_scoped3A : memref<!tpu.dma_semaphore, #tpu.memory_space<semaphore_mem>>) src(%dma_wait3A_100 : memref<128xi32, #tpu.memory_space<hbm>>) dst(%arg5 : memref<128xi32, #tpu.memory_space<vmem>>)
      tpu.yield
    }) : () -> ()
    %dma_start3A = arith.constant 0 : i32
    %dma_start3A_3 = tpu.memref_slice %arg5[%dma_start3A] : memref<128xi32, #tpu.memory_space<vmem>> -> memref<16xi32, #tpu.memory_space<vmem>>
    %dma_start3A_4 = arith.constant 0 : i32
    %dma_start3A_5 = arith.constant 0 : i32
    %dma_start3A_6 = tpu.memref_slice %arg2[%dma_start3A_4, %dma_start3A_5] : memref<8192x1024xf32, #tpu.memory_space<hbm>> -> memref<8192x1024xf32, #tpu.memory_space<hbm>>
    tpu.enqueue_indirect_dma source(%dma_start3A_6 : memref<8192x1024xf32, #tpu.memory_space<hbm>>) target(%arg6 : memref<16x1024xf32, #tpu.memory_space<vmem>>) offsets(%dma_start3A_3 : memref<16xi32, #tpu.memory_space<vmem>>) semaphore(%arg8 : memref<!tpu.dma_semaphore, #tpu.memory_space<semaphore_mem>>)
    %dma_start3A_7 = arith.constant 16 : i32
    %dma_start3A_8 = tpu.memref_slice %arg5[%dma_start3A_7] : memref<128xi32, #tpu.memory_space<vmem>> -> memref<16xi32, #tpu.memory_space<vmem>>
    %dma_start3A_9 = arith.constant 0 : i32
    %dma_start3A_10 = arith.constant 0 : i32
    %dma_start3A_11 = tpu.memref_slice %arg2[%dma_start3A_9, %dma_start3A_10] : memref<8192x1024xf32, #tpu.memory_space<hbm>> -> memref<8192x1024xf32, #tpu.memory_space<hbm>>
    tpu.enqueue_indirect_dma source(%dma_start3A_11 : memref<8192x1024xf32, #tpu.memory_space<hbm>>) target(%arg7 : memref<16x1024xf32, #tpu.memory_space<vmem>>) offsets(%dma_start3A_8 : memref<16xi32, #tpu.memory_space<vmem>>) semaphore(%arg9 : memref<!tpu.dma_semaphore, #tpu.memory_space<semaphore_mem>>)
    %dma_wait3A = arith.constant 0 : i32
    %dma_wait3A_12 = tpu.memref_slice %arg5[%dma_wait3A] : memref<128xi32, #tpu.memory_space<vmem>> -> memref<16xi32, #tpu.memory_space<vmem>>
    %dma_wait3A_13 = arith.constant 0 : i32
    %dma_wait3A_14 = arith.constant 0 : i32
    %dma_wait3A_15 = tpu.memref_slice %arg2[%dma_wait3A_13, %dma_wait3A_14] : memref<8192x1024xf32, #tpu.memory_space<hbm>> -> memref<8192x1024xf32, #tpu.memory_space<hbm>>
    tpu.wait_indirect_dma semaphore(%arg8 : memref<!tpu.dma_semaphore, #tpu.memory_space<semaphore_mem>>) src(%dma_wait3A_15 : memref<8192x1024xf32, #tpu.memory_space<hbm>>) dst(%arg6 : memref<16x1024xf32, #tpu.memory_space<vmem>>)
    %add3A_16 = arith.constant 0 : i32
    %add3A_17 = arith.addi %mul3A_2, %add3A_16 : i32
    "tpu.region"() ({
      %run_scoped3A = tpu.sem_alloc : memref<!tpu.dma_semaphore, #tpu.memory_space<semaphore_mem>>
      %dma_start3A_97 = arith.constant 0 : i32
      %dma_start3A_98 = tpu.memref_slice %arg4[%add3A_17, %dma_start3A_97] : memref<4096x1024xf32, #tpu.memory_space<hbm>> -> memref<16x1024xf32, #tpu.memory_space<hbm>>
      %dma_start3A_99 = arith.constant 0 : i32
      %dma_start3A_100 = tpu.memref_slice %arg4[%add3A_17, %dma_start3A_99] : memref<4096x1024xf32, #tpu.memory_space<hbm>> -> memref<16x1024xf32, #tpu.memory_space<hbm>>
      tpu.enqueue_dma source(%arg6 : memref<16x1024xf32, #tpu.memory_space<vmem>>) target(%dma_start3A_100 : memref<16x1024xf32, #tpu.memory_space<hbm>>) target_semaphore(%run_scoped3A : memref<!tpu.dma_semaphore, #tpu.memory_space<semaphore_mem>>)
      %dma_wait3A_101 = arith.constant 0 : i32
      %dma_wait3A_102 = tpu.memref_slice %arg4[%add3A_17, %dma_wait3A_101] : memref<4096x1024xf32, #tpu.memory_space<hbm>> -> memref<16x1024xf32, #tpu.memory_space<hbm>>
      %dma_wait3A_103 = arith.constant 0 : i32
      %dma_wait3A_104 = tpu.memref_slice %arg4[%add3A_17, %dma_wait3A_103] : memref<4096x1024xf32, #tpu.memory_space<hbm>> -> memref<16x1024xf32, #tpu.memory_space<hbm>>
      tpu.wait_dma2 semaphore(%run_scoped3A : memref<!tpu.dma_semaphore, #tpu.memory_space<semaphore_mem>>) src(%arg6 : memref<16x1024xf32, #tpu.memory_space<vmem>>) dst(%dma_wait3A_104 : memref<16x1024xf32, #tpu.memory_space<hbm>>)
      tpu.yield
    }) : () -> ()
    %dma_start3A_18 = arith.constant 32 : i32
    %dma_start3A_19 = tpu.memref_slice %arg5[%dma_start3A_18] : memref<128xi32, #tpu.memory_space<vmem>> -> memref<16xi32, #tpu.memory_space<vmem>>
    %dma_start3A_20 = arith.constant 0 : i32
    %dma_start3A_21 = arith.constant 0 : i32
    %dma_start3A_22 = tpu.memref_slice %arg2[%dma_start3A_20, %dma_start3A_21] : memref<8192x1024xf32, #tpu.memory_space<hbm>> -> memref<8192x1024xf32, #tpu.memory_space<hbm>>
    tpu.enqueue_indirect_dma source(%dma_start3A_22 : memref<8192x1024xf32, #tpu.memory_space<hbm>>) target(%arg6 : memref<16x1024xf32, #tpu.memory_space<vmem>>) offsets(%dma_start3A_19 : memref<16xi32, #tpu.memory_space<vmem>>) semaphore(%arg8 : memref<!tpu.dma_semaphore, #tpu.memory_space<semaphore_mem>>)
    %dma_wait3A_23 = arith.constant 16 : i32
    %dma_wait3A_24 = tpu.memref_slice %arg5[%dma_wait3A_23] : memref<128xi32, #tpu.memory_space<vmem>> -> memref<16xi32, #tpu.memory_space<vmem>>
    %dma_wait3A_25 = arith.constant 0 : i32
    %dma_wait3A_26 = arith.constant 0 : i32
    %dma_wait3A_27 = tpu.memref_slice %arg2[%dma_wait3A_25, %dma_wait3A_26] : memref<8192x1024xf32, #tpu.memory_space<hbm>> -> memref<8192x1024xf32, #tpu.memory_space<hbm>>
    tpu.wait_indirect_dma semaphore(%arg9 : memref<!tpu.dma_semaphore, #tpu.memory_space<semaphore_mem>>) src(%dma_wait3A_27 : memref<8192x1024xf32, #tpu.memory_space<hbm>>) dst(%arg7 : memref<16x1024xf32, #tpu.memory_space<vmem>>)
    %add3A_28 = arith.constant 16 : i32
    %add3A_29 = arith.addi %mul3A_2, %add3A_28 : i32
    "tpu.region"() ({
      %run_scoped3A = tpu.sem_alloc : memref<!tpu.dma_semaphore, #tpu.memory_space<semaphore_mem>>
      %dma_start3A_97 = arith.constant 0 : i32
      %dma_start3A_98 = tpu.memref_slice %arg4[%add3A_29, %dma_start3A_97] : memref<4096x1024xf32, #tpu.memory_space<hbm>> -> memref<16x1024xf32, #tpu.memory_space<hbm>>
      %dma_start3A_99 = arith.constant 0 : i32
      %dma_start3A_100 = tpu.memref_slice %arg4[%add3A_29, %dma_start3A_99] : memref<4096x1024xf32, #tpu.memory_space<hbm>> -> memref<16x1024xf32, #tpu.memory_space<hbm>>
      tpu.enqueue_dma source(%arg7 : memref<16x1024xf32, #tpu.memory_space<vmem>>) target(%dma_start3A_100 : memref<16x1024xf32, #tpu.memory_space<hbm>>) target_semaphore(%run_scoped3A : memref<!tpu.dma_semaphore, #tpu.memory_space<semaphore_mem>>)
      %dma_wait3A_101 = arith.constant 0 : i32
      %dma_wait3A_102 = tpu.memref_slice %arg4[%add3A_29, %dma_wait3A_101] : memref<4096x1024xf32, #tpu.memory_space<hbm>> -> memref<16x1024xf32, #tpu.memory_space<hbm>>
      %dma_wait3A_103 = arith.constant 0 : i32
      %dma_wait3A_104 = tpu.memref_slice %arg4[%add3A_29, %dma_wait3A_103] : memref<4096x1024xf32, #tpu.memory_space<hbm>> -> memref<16x1024xf32, #tpu.memory_space<hbm>>
      tpu.wait_dma2 semaphore(%run_scoped3A : memref<!tpu.dma_semaphore, #tpu.memory_space<semaphore_mem>>) src(%arg7 : memref<16x1024xf32, #tpu.memory_space<vmem>>) dst(%dma_wait3A_104 : memref<16x1024xf32, #tpu.memory_space<hbm>>)
      tpu.yield
    }) : () -> ()
    %dma_start3A_30 = arith.constant 48 : i32
    %dma_start3A_31 = tpu.memref_slice %arg5[%dma_start3A_30] : memref<128xi32, #tpu.memory_space<vmem>> -> memref<16xi32, #tpu.memory_space<vmem>>
    %dma_start3A_32 = arith.constant 0 : i32
    %dma_start3A_33 = arith.constant 0 : i32
    %dma_start3A_34 = tpu.memref_slice %arg2[%dma_start3A_32, %dma_start3A_33] : memref<8192x1024xf32, #tpu.memory_space<hbm>> -> memref<8192x1024xf32, #tpu.memory_space<hbm>>
    tpu.enqueue_indirect_dma source(%dma_start3A_34 : memref<8192x1024xf32, #tpu.memory_space<hbm>>) target(%arg7 : memref<16x1024xf32, #tpu.memory_space<vmem>>) offsets(%dma_start3A_31 : memref<16xi32, #tpu.memory_space<vmem>>) semaphore(%arg9 : memref<!tpu.dma_semaphore, #tpu.memory_space<semaphore_mem>>)
    %dma_wait3A_35 = arith.constant 32 : i32
    %dma_wait3A_36 = tpu.memref_slice %arg5[%dma_wait3A_35] : memref<128xi32, #tpu.memory_space<vmem>> -> memref<16xi32, #tpu.memory_space<vmem>>
    %dma_wait3A_37 = arith.constant 0 : i32
    %dma_wait3A_38 = arith.constant 0 : i32
    %dma_wait3A_39 = tpu.memref_slice %arg2[%dma_wait3A_37, %dma_wait3A_38] : memref<8192x1024xf32, #tpu.memory_space<hbm>> -> memref<8192x1024xf32, #tpu.memory_space<hbm>>
    tpu.wait_indirect_dma semaphore(%arg8 : memref<!tpu.dma_semaphore, #tpu.memory_space<semaphore_mem>>) src(%dma_wait3A_39 : memref<8192x1024xf32, #tpu.memory_space<hbm>>) dst(%arg6 : memref<16x1024xf32, #tpu.memory_space<vmem>>)
    %add3A_40 = arith.constant 32 : i32
    %add3A_41 = arith.addi %mul3A_2, %add3A_40 : i32
    "tpu.region"() ({
      %run_scoped3A = tpu.sem_alloc : memref<!tpu.dma_semaphore, #tpu.memory_space<semaphore_mem>>
      %dma_start3A_97 = arith.constant 0 : i32
      %dma_start3A_98 = tpu.memref_slice %arg4[%add3A_41, %dma_start3A_97] : memref<4096x1024xf32, #tpu.memory_space<hbm>> -> memref<16x1024xf32, #tpu.memory_space<hbm>>
      %dma_start3A_99 = arith.constant 0 : i32
      %dma_start3A_100 = tpu.memref_slice %arg4[%add3A_41, %dma_start3A_99] : memref<4096x1024xf32, #tpu.memory_space<hbm>> -> memref<16x1024xf32, #tpu.memory_space<hbm>>
      tpu.enqueue_dma source(%arg6 : memref<16x1024xf32, #tpu.memory_space<vmem>>) target(%dma_start3A_100 : memref<16x1024xf32, #tpu.memory_space<hbm>>) target_semaphore(%run_scoped3A : memref<!tpu.dma_semaphore, #tpu.memory_space<semaphore_mem>>)
      %dma_wait3A_101 = arith.constant 0 : i32
      %dma_wait3A_102 = tpu.memref_slice %arg4[%add3A_41, %dma_wait3A_101] : memref<4096x1024xf32, #tpu.memory_space<hbm>> -> memref<16x1024xf32, #tpu.memory_space<hbm>>
      %dma_wait3A_103 = arith.constant 0 : i32
      %dma_wait3A_104 = tpu.memref_slice %arg4[%add3A_41, %dma_wait3A_103] : memref<4096x1024xf32, #tpu.memory_space<hbm>> -> memref<16x1024xf32, #tpu.memory_space<hbm>>
      tpu.wait_dma2 semaphore(%run_scoped3A : memref<!tpu.dma_semaphore, #tpu.memory_space<semaphore_mem>>) src(%arg6 : memref<16x1024xf32, #tpu.memory_space<vmem>>) dst(%dma_wait3A_104 : memref<16x1024xf32, #tpu.memory_space<hbm>>)
      tpu.yield
    }) : () -> ()
    %dma_start3A_42 = arith.constant 64 : i32
    %dma_start3A_43 = tpu.memref_slice %arg5[%dma_start3A_42] : memref<128xi32, #tpu.memory_space<vmem>> -> memref<16xi32, #tpu.memory_space<vmem>>
    %dma_start3A_44 = arith.constant 0 : i32
    %dma_start3A_45 = arith.constant 0 : i32
    %dma_start3A_46 = tpu.memref_slice %arg2[%dma_start3A_44, %dma_start3A_45] : memref<8192x1024xf32, #tpu.memory_space<hbm>> -> memref<8192x1024xf32, #tpu.memory_space<hbm>>
    tpu.enqueue_indirect_dma source(%dma_start3A_46 : memref<8192x1024xf32, #tpu.memory_space<hbm>>) target(%arg6 : memref<16x1024xf32, #tpu.memory_space<vmem>>) offsets(%dma_start3A_43 : memref<16xi32, #tpu.memory_space<vmem>>) semaphore(%arg8 : memref<!tpu.dma_semaphore, #tpu.memory_space<semaphore_mem>>)
    %dma_wait3A_47 = arith.constant 48 : i32
    %dma_wait3A_48 = tpu.memref_slice %arg5[%dma_wait3A_47] : memref<128xi32, #tpu.memory_space<vmem>> -> memref<16xi32, #tpu.memory_space<vmem>>
    %dma_wait3A_49 = arith.constant 0 : i32
    %dma_wait3A_50 = arith.constant 0 : i32
    %dma_wait3A_51 = tpu.memref_slice %arg2[%dma_wait3A_49, %dma_wait3A_50] : memref<8192x1024xf32, #tpu.memory_space<hbm>> -> memref<8192x1024xf32, #tpu.memory_space<hbm>>
    tpu.wait_indirect_dma semaphore(%arg9 : memref<!tpu.dma_semaphore, #tpu.memory_space<semaphore_mem>>) src(%dma_wait3A_51 : memref<8192x1024xf32, #tpu.memory_space<hbm>>) dst(%arg7 : memref<16x1024xf32, #tpu.memory_space<vmem>>)
    %add3A_52 = arith.constant 48 : i32
    %add3A_53 = arith.addi %mul3A_2, %add3A_52 : i32
    "tpu.region"() ({
      %run_scoped3A = tpu.sem_alloc : memref<!tpu.dma_semaphore, #tpu.memory_space<semaphore_mem>>
      %dma_start3A_97 = arith.constant 0 : i32
      %dma_start3A_98 = tpu.memref_slice %arg4[%add3A_53, %dma_start3A_97] : memref<4096x1024xf32, #tpu.memory_space<hbm>> -> memref<16x1024xf32, #tpu.memory_space<hbm>>
      %dma_start3A_99 = arith.constant 0 : i32
      %dma_start3A_100 = tpu.memref_slice %arg4[%add3A_53, %dma_start3A_99] : memref<4096x1024xf32, #tpu.memory_space<hbm>> -> memref<16x1024xf32, #tpu.memory_space<hbm>>
      tpu.enqueue_dma source(%arg7 : memref<16x1024xf32, #tpu.memory_space<vmem>>) target(%dma_start3A_100 : memref<16x1024xf32, #tpu.memory_space<hbm>>) target_semaphore(%run_scoped3A : memref<!tpu.dma_semaphore, #tpu.memory_space<semaphore_mem>>)
      %dma_wait3A_101 = arith.constant 0 : i32
      %dma_wait3A_102 = tpu.memref_slice %arg4[%add3A_53, %dma_wait3A_101] : memref<4096x1024xf32, #tpu.memory_space<hbm>> -> memref<16x1024xf32, #tpu.memory_space<hbm>>
      %dma_wait3A_103 = arith.constant 0 : i32
      %dma_wait3A_104 = tpu.memref_slice %arg4[%add3A_53, %dma_wait3A_103] : memref<4096x1024xf32, #tpu.memory_space<hbm>> -> memref<16x1024xf32, #tpu.memory_space<hbm>>
      tpu.wait_dma2 semaphore(%run_scoped3A : memref<!tpu.dma_semaphore, #tpu.memory_space<semaphore_mem>>) src(%arg7 : memref<16x1024xf32, #tpu.memory_space<vmem>>) dst(%dma_wait3A_104 : memref<16x1024xf32, #tpu.memory_space<hbm>>)
      tpu.yield
    }) : () -> ()
    %dma_start3A_54 = arith.constant 80 : i32
    %dma_start3A_55 = tpu.memref_slice %arg5[%dma_start3A_54] : memref<128xi32, #tpu.memory_space<vmem>> -> memref<16xi32, #tpu.memory_space<vmem>>
    %dma_start3A_56 = arith.constant 0 : i32
    %dma_start3A_57 = arith.constant 0 : i32
    %dma_start3A_58 = tpu.memref_slice %arg2[%dma_start3A_56, %dma_start3A_57] : memref<8192x1024xf32, #tpu.memory_space<hbm>> -> memref<8192x1024xf32, #tpu.memory_space<hbm>>
    tpu.enqueue_indirect_dma source(%dma_start3A_58 : memref<8192x1024xf32, #tpu.memory_space<hbm>>) target(%arg7 : memref<16x1024xf32, #tpu.memory_space<vmem>>) offsets(%dma_start3A_55 : memref<16xi32, #tpu.memory_space<vmem>>) semaphore(%arg9 : memref<!tpu.dma_semaphore, #tpu.memory_space<semaphore_mem>>)
    %dma_wait3A_59 = arith.constant 64 : i32
    %dma_wait3A_60 = tpu.memref_slice %arg5[%dma_wait3A_59] : memref<128xi32, #tpu.memory_space<vmem>> -> memref<16xi32, #tpu.memory_space<vmem>>
    %dma_wait3A_61 = arith.constant 0 : i32
    %dma_wait3A_62 = arith.constant 0 : i32
    %dma_wait3A_63 = tpu.memref_slice %arg2[%dma_wait3A_61, %dma_wait3A_62] : memref<8192x1024xf32, #tpu.memory_space<hbm>> -> memref<8192x1024xf32, #tpu.memory_space<hbm>>
    tpu.wait_indirect_dma semaphore(%arg8 : memref<!tpu.dma_semaphore, #tpu.memory_space<semaphore_mem>>) src(%dma_wait3A_63 : memref<8192x1024xf32, #tpu.memory_space<hbm>>) dst(%arg6 : memref<16x1024xf32, #tpu.memory_space<vmem>>)
    %add3A_64 = arith.constant 64 : i32
    %add3A_65 = arith.addi %mul3A_2, %add3A_64 : i32
    "tpu.region"() ({
      %run_scoped3A = tpu.sem_alloc : memref<!tpu.dma_semaphore, #tpu.memory_space<semaphore_mem>>
      %dma_start3A_97 = arith.constant 0 : i32
      %dma_start3A_98 = tpu.memref_slice %arg4[%add3A_65, %dma_start3A_97] : memref<4096x1024xf32, #tpu.memory_space<hbm>> -> memref<16x1024xf32, #tpu.memory_space<hbm>>
      %dma_start3A_99 = arith.constant 0 : i32
      %dma_start3A_100 = tpu.memref_slice %arg4[%add3A_65, %dma_start3A_99] : memref<4096x1024xf32, #tpu.memory_space<hbm>> -> memref<16x1024xf32, #tpu.memory_space<hbm>>
      tpu.enqueue_dma source(%arg6 : memref<16x1024xf32, #tpu.memory_space<vmem>>) target(%dma_start3A_100 : memref<16x1024xf32, #tpu.memory_space<hbm>>) target_semaphore(%run_scoped3A : memref<!tpu.dma_semaphore, #tpu.memory_space<semaphore_mem>>)
      %dma_wait3A_101 = arith.constant 0 : i32
      %dma_wait3A_102 = tpu.memref_slice %arg4[%add3A_65, %dma_wait3A_101] : memref<4096x1024xf32, #tpu.memory_space<hbm>> -> memref<16x1024xf32, #tpu.memory_space<hbm>>
      %dma_wait3A_103 = arith.constant 0 : i32
      %dma_wait3A_104 = tpu.memref_slice %arg4[%add3A_65, %dma_wait3A_103] : memref<4096x1024xf32, #tpu.memory_space<hbm>> -> memref<16x1024xf32, #tpu.memory_space<hbm>>
      tpu.wait_dma2 semaphore(%run_scoped3A : memref<!tpu.dma_semaphore, #tpu.memory_space<semaphore_mem>>) src(%arg6 : memref<16x1024xf32, #tpu.memory_space<vmem>>) dst(%dma_wait3A_104 : memref<16x1024xf32, #tpu.memory_space<hbm>>)
      tpu.yield
    }) : () -> ()
    %dma_start3A_66 = arith.constant 96 : i32
    %dma_start3A_67 = tpu.memref_slice %arg5[%dma_start3A_66] : memref<128xi32, #tpu.memory_space<vmem>> -> memref<16xi32, #tpu.memory_space<vmem>>
    %dma_start3A_68 = arith.constant 0 : i32
    %dma_start3A_69 = arith.constant 0 : i32
    %dma_start3A_70 = tpu.memref_slice %arg2[%dma_start3A_68, %dma_start3A_69] : memref<8192x1024xf32, #tpu.memory_space<hbm>> -> memref<8192x1024xf32, #tpu.memory_space<hbm>>
    tpu.enqueue_indirect_dma source(%dma_start3A_70 : memref<8192x1024xf32, #tpu.memory_space<hbm>>) target(%arg6 : memref<16x1024xf32, #tpu.memory_space<vmem>>) offsets(%dma_start3A_67 : memref<16xi32, #tpu.memory_space<vmem>>) semaphore(%arg8 : memref<!tpu.dma_semaphore, #tpu.memory_space<semaphore_mem>>)
    %dma_wait3A_71 = arith.constant 80 : i32
    %dma_wait3A_72 = tpu.memref_slice %arg5[%dma_wait3A_71] : memref<128xi32, #tpu.memory_space<vmem>> -> memref<16xi32, #tpu.memory_space<vmem>>
    %dma_wait3A_73 = arith.constant 0 : i32
    %dma_wait3A_74 = arith.constant 0 : i32
    %dma_wait3A_75 = tpu.memref_slice %arg2[%dma_wait3A_73, %dma_wait3A_74] : memref<8192x1024xf32, #tpu.memory_space<hbm>> -> memref<8192x1024xf32, #tpu.memory_space<hbm>>
    tpu.wait_indirect_dma semaphore(%arg9 : memref<!tpu.dma_semaphore, #tpu.memory_space<semaphore_mem>>) src(%dma_wait3A_75 : memref<8192x1024xf32, #tpu.memory_space<hbm>>) dst(%arg7 : memref<16x1024xf32, #tpu.memory_space<vmem>>)
    %add3A_76 = arith.constant 80 : i32
    %add3A_77 = arith.addi %mul3A_2, %add3A_76 : i32
    "tpu.region"() ({
      %run_scoped3A = tpu.sem_alloc : memref<!tpu.dma_semaphore, #tpu.memory_space<semaphore_mem>>
      %dma_start3A_97 = arith.constant 0 : i32
      %dma_start3A_98 = tpu.memref_slice %arg4[%add3A_77, %dma_start3A_97] : memref<4096x1024xf32, #tpu.memory_space<hbm>> -> memref<16x1024xf32, #tpu.memory_space<hbm>>
      %dma_start3A_99 = arith.constant 0 : i32
      %dma_start3A_100 = tpu.memref_slice %arg4[%add3A_77, %dma_start3A_99] : memref<4096x1024xf32, #tpu.memory_space<hbm>> -> memref<16x1024xf32, #tpu.memory_space<hbm>>
      tpu.enqueue_dma source(%arg7 : memref<16x1024xf32, #tpu.memory_space<vmem>>) target(%dma_start3A_100 : memref<16x1024xf32, #tpu.memory_space<hbm>>) target_semaphore(%run_scoped3A : memref<!tpu.dma_semaphore, #tpu.memory_space<semaphore_mem>>)
      %dma_wait3A_101 = arith.constant 0 : i32
      %dma_wait3A_102 = tpu.memref_slice %arg4[%add3A_77, %dma_wait3A_101] : memref<4096x1024xf32, #tpu.memory_space<hbm>> -> memref<16x1024xf32, #tpu.memory_space<hbm>>
      %dma_wait3A_103 = arith.constant 0 : i32
      %dma_wait3A_104 = tpu.memref_slice %arg4[%add3A_77, %dma_wait3A_103] : memref<4096x1024xf32, #tpu.memory_space<hbm>> -> memref<16x1024xf32, #tpu.memory_space<hbm>>
      tpu.wait_dma2 semaphore(%run_scoped3A : memref<!tpu.dma_semaphore, #tpu.memory_space<semaphore_mem>>) src(%arg7 : memref<16x1024xf32, #tpu.memory_space<vmem>>) dst(%dma_wait3A_104 : memref<16x1024xf32, #tpu.memory_space<hbm>>)
      tpu.yield
    }) : () -> ()
    %dma_start3A_78 = arith.constant 112 : i32
    %dma_start3A_79 = tpu.memref_slice %arg5[%dma_start3A_78] : memref<128xi32, #tpu.memory_space<vmem>> -> memref<16xi32, #tpu.memory_space<vmem>>
    %dma_start3A_80 = arith.constant 0 : i32
    %dma_start3A_81 = arith.constant 0 : i32
    %dma_start3A_82 = tpu.memref_slice %arg2[%dma_start3A_80, %dma_start3A_81] : memref<8192x1024xf32, #tpu.memory_space<hbm>> -> memref<8192x1024xf32, #tpu.memory_space<hbm>>
    tpu.enqueue_indirect_dma source(%dma_start3A_82 : memref<8192x1024xf32, #tpu.memory_space<hbm>>) target(%arg7 : memref<16x1024xf32, #tpu.memory_space<vmem>>) offsets(%dma_start3A_79 : memref<16xi32, #tpu.memory_space<vmem>>) semaphore(%arg9 : memref<!tpu.dma_semaphore, #tpu.memory_space<semaphore_mem>>)
    %dma_wait3A_83 = arith.constant 96 : i32
    %dma_wait3A_84 = tpu.memref_slice %arg5[%dma_wait3A_83] : memref<128xi32, #tpu.memory_space<vmem>> -> memref<16xi32, #tpu.memory_space<vmem>>
    %dma_wait3A_85 = arith.constant 0 : i32
    %dma_wait3A_86 = arith.constant 0 : i32
    %dma_wait3A_87 = tpu.memref_slice %arg2[%dma_wait3A_85, %dma_wait3A_86] : memref<8192x1024xf32, #tpu.memory_space<hbm>> -> memref<8192x1024xf32, #tpu.memory_space<hbm>>
    tpu.wait_indirect_dma semaphore(%arg8 : memref<!tpu.dma_semaphore, #tpu.memory_space<semaphore_mem>>) src(%dma_wait3A_87 : memref<8192x1024xf32, #tpu.memory_space<hbm>>) dst(%arg6 : memref<16x1024xf32, #tpu.memory_space<vmem>>)
    %add3A_88 = arith.constant 96 : i32
    %add3A_89 = arith.addi %mul3A_2, %add3A_88 : i32
    "tpu.region"() ({
      %run_scoped3A = tpu.sem_alloc : memref<!tpu.dma_semaphore, #tpu.memory_space<semaphore_mem>>
      %dma_start3A_97 = arith.constant 0 : i32
      %dma_start3A_98 = tpu.memref_slice %arg4[%add3A_89, %dma_start3A_97] : memref<4096x1024xf32, #tpu.memory_space<hbm>> -> memref<16x1024xf32, #tpu.memory_space<hbm>>
      %dma_start3A_99 = arith.constant 0 : i32
      %dma_start3A_100 = tpu.memref_slice %arg4[%add3A_89, %dma_start3A_99] : memref<4096x1024xf32, #tpu.memory_space<hbm>> -> memref<16x1024xf32, #tpu.memory_space<hbm>>
      tpu.enqueue_dma source(%arg6 : memref<16x1024xf32, #tpu.memory_space<vmem>>) target(%dma_start3A_100 : memref<16x1024xf32, #tpu.memory_space<hbm>>) target_semaphore(%run_scoped3A : memref<!tpu.dma_semaphore, #tpu.memory_space<semaphore_mem>>)
      %dma_wait3A_101 = arith.constant 0 : i32
      %dma_wait3A_102 = tpu.memref_slice %arg4[%add3A_89, %dma_wait3A_101] : memref<4096x1024xf32, #tpu.memory_space<hbm>> -> memref<16x1024xf32, #tpu.memory_space<hbm>>
      %dma_wait3A_103 = arith.constant 0 : i32
      %dma_wait3A_104 = tpu.memref_slice %arg4[%add3A_89, %dma_wait3A_103] : memref<4096x1024xf32, #tpu.memory_space<hbm>> -> memref<16x1024xf32, #tpu.memory_space<hbm>>
      tpu.wait_dma2 semaphore(%run_scoped3A : memref<!tpu.dma_semaphore, #tpu.memory_space<semaphore_mem>>) src(%arg6 : memref<16x1024xf32, #tpu.memory_space<vmem>>) dst(%dma_wait3A_104 : memref<16x1024xf32, #tpu.memory_space<hbm>>)
      tpu.yield
    }) : () -> ()
    %dma_wait3A_90 = arith.constant 112 : i32
    %dma_wait3A_91 = tpu.memref_slice %arg5[%dma_wait3A_90] : memref<128xi32, #tpu.memory_space<vmem>> -> memref<16xi32, #tpu.memory_space<vmem>>
    %dma_wait3A_92 = arith.constant 0 : i32
    %dma_wait3A_93 = arith.constant 0 : i32
    %dma_wait3A_94 = tpu.memref_slice %arg2[%dma_wait3A_92, %dma_wait3A_93] : memref<8192x1024xf32, #tpu.memory_space<hbm>> -> memref<8192x1024xf32, #tpu.memory_space<hbm>>
    tpu.wait_indirect_dma semaphore(%arg9 : memref<!tpu.dma_semaphore, #tpu.memory_space<semaphore_mem>>) src(%dma_wait3A_94 : memref<8192x1024xf32, #tpu.memory_space<hbm>>) dst(%arg7 : memref<16x1024xf32, #tpu.memory_space<vmem>>)
    %add3A_95 = arith.constant 112 : i32
    %add3A_96 = arith.addi %mul3A_2, %add3A_95 : i32
    "tpu.region"() ({
      %run_scoped3A = tpu.sem_alloc : memref<!tpu.dma_semaphore, #tpu.memory_space<semaphore_mem>>
      %dma_start3A_97 = arith.constant 0 : i32
      %dma_start3A_98 = tpu.memref_slice %arg4[%add3A_96, %dma_start3A_97] : memref<4096x1024xf32, #tpu.memory_space<hbm>> -> memref<16x1024xf32, #tpu.memory_space<hbm>>
      %dma_start3A_99 = arith.constant 0 : i32
      %dma_start3A_100 = tpu.memref_slice %arg4[%add3A_96, %dma_start3A_99] : memref<4096x1024xf32, #tpu.memory_space<hbm>> -> memref<16x1024xf32, #tpu.memory_space<hbm>>
      tpu.enqueue_dma source(%arg7 : memref<16x1024xf32, #tpu.memory_space<vmem>>) target(%dma_start3A_100 : memref<16x1024xf32, #tpu.memory_space<hbm>>) target_semaphore(%run_scoped3A : memref<!tpu.dma_semaphore, #tpu.memory_space<semaphore_mem>>)
      %dma_wait3A_101 = arith.constant 0 : i32
      %dma_wait3A_102 = tpu.memref_slice %arg4[%add3A_96, %dma_wait3A_101] : memref<4096x1024xf32, #tpu.memory_space<hbm>> -> memref<16x1024xf32, #tpu.memory_space<hbm>>
      %dma_wait3A_103 = arith.constant 0 : i32
      %dma_wait3A_104 = tpu.memref_slice %arg4[%add3A_96, %dma_wait3A_103] : memref<4096x1024xf32, #tpu.memory_space<hbm>> -> memref<16x1024xf32, #tpu.memory_space<hbm>>
      tpu.wait_dma2 semaphore(%run_scoped3A : memref<!tpu.dma_semaphore, #tpu.memory_space<semaphore_mem>>) src(%arg7 : memref<16x1024xf32, #tpu.memory_space<vmem>>) dst(%dma_wait3A_104 : memref<16x1024xf32, #tpu.memory_space<hbm>>)
      tpu.yield
    }) : () -> ()
    return
  }
}

module attributes {stable_mosaic.version = 14 : i64} {
  func.func @_mlp_body(%arg0: i32, %arg1: memref<17xi32, #tpu.memory_space<smem>>, %arg2: memref<512x16xf32, #tpu.memory_space<vmem>>, %arg3: memref<16x1024xf32, #tpu.memory_space<vmem>>, %arg4: memref<1x1024xf32, #tpu.memory_space<vmem>>, %arg5: memref<1024x1024xf32, #tpu.memory_space<vmem>>, %arg6: memref<1x1024xf32, #tpu.memory_space<vmem>>, %arg7: memref<1x1024x1024xf32, #tpu.memory_space<vmem>>, %arg8: memref<1x1x1024xf32, #tpu.memory_space<vmem>>, %arg9: memref<512x1024xf32, #tpu.memory_space<vmem>>) attributes {dimension_semantics = [#tpu.dimension_semantics<arbitrary>], iteration_bounds = array<i64: 16>, scalar_prefetch = 1 : i64, scratch_operands = 0 : i64, tpu.core_type = #tpu.core_type<tc>, window_params = [{transform_indices = @transform_0, window_bounds = array<i64: 512, 16>}, {pipeline_mode = #tpu.pipeline_mode<synchronous>, transform_indices = @transform_1, window_bounds = array<i64: 16, 1024>}, {pipeline_mode = #tpu.pipeline_mode<synchronous>, transform_indices = @transform_2, window_bounds = array<i64: 1, 1024>}, {pipeline_mode = #tpu.pipeline_mode<synchronous>, transform_indices = @transform_3, window_bounds = array<i64: 1024, 1024>}, {pipeline_mode = #tpu.pipeline_mode<synchronous>, transform_indices = @transform_4, window_bounds = array<i64: 1, 1024>}, {transform_indices = @transform_5, window_bounds = array<i64: 1, 1024, 1024>}, {transform_indices = @transform_6, window_bounds = array<i64: 1, 1, 1024>}, {transform_indices = @transform_7, window_bounds = array<i64: 512, 1024>}]} {
    %get3A = arith.constant 16 : index
    %get3A_0 = memref.load %arg1[%get3A] : memref<17xi32, #tpu.memory_space<smem>>
    %lt3A = arith.cmpi slt, %arg0, %get3A_0 : i32
    %convert_element_type3A = arith.extui %lt3A : i1 to i32
    %cond3A = arith.constant 0 : i32
    %cond3A_1 = arith.cmpi ne, %convert_element_type3A, %cond3A : i32
    scf.if %cond3A_1 {
      %get3A_2 = arith.constant 0 : index
      %get3A_3 = arith.constant 0 : index
      %get3A_4 = vector.load %arg2[%get3A_2, %get3A_3] : memref<512x16xf32, #tpu.memory_space<vmem>>, vector<512x16xf32>
      %get3A_5 = arith.constant 0 : index
      %get3A_6 = arith.constant 0 : index
      %get3A_7 = vector.load %arg3[%get3A_5, %get3A_6] : memref<16x1024xf32, #tpu.memory_space<vmem>>, vector<16x1024xf32>
      %dot_general3A = arith.constant dense<0.000000e+00> : vector<512x1024xf32>
      %dot_general3A_8 = tpu.matmul %get3A_4, %get3A_7, %dot_general3A {dimension_numbers = #tpu.dot_dimension_numbers<[1], [0], [0], [1], [0, 0, 1, 1], [], []>, transpose_lhs_hint = false} : vector<512x16xf32>, vector<16x1024xf32>, vector<512x1024xf32> -> vector<512x1024xf32>
      %get3A_9 = arith.constant 0 : index
      %get3A_10 = arith.constant 0 : index
      %get3A_11 = vector.load %arg4[%get3A_9, %get3A_10] : memref<1x1024xf32, #tpu.memory_space<vmem>>, vector<1x1024xf32>
      %add3A = vector.broadcast %get3A_11 : vector<1x1024xf32> to vector<512x1024xf32>
      %add3A_12 = arith.addf %dot_general3A_8, %add3A : vector<512x1024xf32>
      %max3A = arith.constant 0.000000e+00 : f32
      %max3A_13 = vector.broadcast %max3A : f32 to vector<512x1024xf32>
      %max3A_14 = arith.maximumf %add3A_12, %max3A_13 : vector<512x1024xf32>
      %get3A_15 = arith.constant 0 : index
      %get3A_16 = arith.constant 0 : index
      %get3A_17 = vector.load %arg5[%get3A_15, %get3A_16] : memref<1024x1024xf32, #tpu.memory_space<vmem>>, vector<1024x1024xf32>
      %dot_general3A_18 = arith.constant dense<0.000000e+00> : vector<512x1024xf32>
      %dot_general3A_19 = tpu.matmul %max3A_14, %get3A_17, %dot_general3A_18 {dimension_numbers = #tpu.dot_dimension_numbers<[1], [0], [0], [1], [0, 0, 1, 1], [], []>, transpose_lhs_hint = false} : vector<512x1024xf32>, vector<1024x1024xf32>, vector<512x1024xf32> -> vector<512x1024xf32>
      %get3A_20 = arith.constant 0 : index
      %get3A_21 = arith.constant 0 : index
      %get3A_22 = vector.load %arg6[%get3A_20, %get3A_21] : memref<1x1024xf32, #tpu.memory_space<vmem>>, vector<1x1024xf32>
      %add3A_23 = vector.broadcast %get3A_22 : vector<1x1024xf32> to vector<512x1024xf32>
      %add3A_24 = arith.addf %dot_general3A_19, %add3A_23 : vector<512x1024xf32>
      %max3A_25 = arith.constant 0.000000e+00 : f32
      %max3A_26 = vector.broadcast %max3A_25 : f32 to vector<512x1024xf32>
      %max3A_27 = arith.maximumf %add3A_24, %max3A_26 : vector<512x1024xf32>
      %get3A_28 = arith.constant 0 : index
      %get3A_29 = arith.constant 0 : index
      %get3A_30 = arith.constant 0 : index
      %get3A_31 = vector.load %arg7[%get3A_28, %get3A_29, %get3A_30] : memref<1x1024x1024xf32, #tpu.memory_space<vmem>>, vector<1x1024x1024xf32>
      %get3A_32 = vector.shape_cast %get3A_31 : vector<1x1024x1024xf32> to vector<1024x1024xf32>
      %dot_general3A_33 = arith.constant dense<0.000000e+00> : vector<512x1024xf32>
      %dot_general3A_34 = tpu.matmul %max3A_27, %get3A_32, %dot_general3A_33 {dimension_numbers = #tpu.dot_dimension_numbers<[1], [1], [0], [0], [0, 0, 1, 0], [], []>, transpose_lhs_hint = false} : vector<512x1024xf32>, vector<1024x1024xf32>, vector<512x1024xf32> -> vector<512x1024xf32>
      %get3A_35 = arith.constant 0 : index
      %get3A_36 = arith.constant 0 : index
      %get3A_37 = arith.constant 0 : index
      %get3A_38 = vector.load %arg8[%get3A_35, %get3A_36, %get3A_37] : memref<1x1x1024xf32, #tpu.memory_space<vmem>>, vector<1x1x1024xf32>
      %get3A_39 = vector.shape_cast %get3A_38 : vector<1x1x1024xf32> to vector<1x1024xf32>
      %add3A_40 = vector.broadcast %get3A_39 : vector<1x1024xf32> to vector<512x1024xf32>
      %add3A_41 = arith.addf %dot_general3A_34, %add3A_40 : vector<512x1024xf32>
      %logistic3A = arith.negf %add3A_41 : vector<512x1024xf32>
      %logistic3A_42 = math.exp %logistic3A : vector<512x1024xf32>
      %logistic3A_43 = arith.constant 1.000000e+00 : f32
      %logistic3A_44 = vector.broadcast %logistic3A_43 : f32 to vector<512x1024xf32>
      %logistic3A_45 = arith.addf %logistic3A_44, %logistic3A_42 : vector<512x1024xf32>
      %logistic3A_46 = arith.divf %logistic3A_44, %logistic3A_45 : vector<512x1024xf32>
      %swap3A = arith.constant 0 : index
      %swap3A_47 = arith.constant 0 : index
      %swap3A_48 = vector.load %arg9[%swap3A, %swap3A_47] : memref<512x1024xf32, #tpu.memory_space<vmem>>, vector<512x1024xf32>
      tpu.vector_store %arg9[%swap3A, %swap3A_47], %logistic3A_46 {strides = array<i32>} : memref<512x1024xf32, #tpu.memory_space<vmem>>, vector<512x1024xf32>,
    } else {
    }
    return
  }
  func.func @transform_0(%arg0: i32, %arg1: memref<17xi32, #tpu.memory_space<smem>>) -> (i32, i32) {
    %c0_i32 = arith.constant 0 : i32
    %c0_i32_0 = arith.constant 0 : i32
    return %arg0, %c0_i32 : i32, i32
  }
  func.func @transform_1(%arg0: i32, %arg1: memref<17xi32, #tpu.memory_space<smem>>) -> (i32, i32) {
    %c0_i32 = arith.constant 0 : i32
    %c0_i32_0 = arith.constant 0 : i32
    %c0_i32_1 = arith.constant 0 : i32
    return %c0_i32, %c0_i32_0 : i32, i32
  }
  func.func @transform_2(%arg0: i32, %arg1: memref<17xi32, #tpu.memory_space<smem>>) -> (i32, i32) {
    %c0_i32 = arith.constant 0 : i32
    %c0_i32_0 = arith.constant 0 : i32
    %c0_i32_1 = arith.constant 0 : i32
    return %c0_i32, %c0_i32_0 : i32, i32
  }
  func.func @transform_3(%arg0: i32, %arg1: memref<17xi32, #tpu.memory_space<smem>>) -> (i32, i32) {
    %c0_i32 = arith.constant 0 : i32
    %c0_i32_0 = arith.constant 0 : i32
    %c0_i32_1 = arith.constant 0 : i32
    return %c0_i32, %c0_i32_0 : i32, i32
  }
  func.func @transform_4(%arg0: i32, %arg1: memref<17xi32, #tpu.memory_space<smem>>) -> (i32, i32) {
    %c0_i32 = arith.constant 0 : i32
    %c0_i32_0 = arith.constant 0 : i32
    %c0_i32_1 = arith.constant 0 : i32
    return %c0_i32, %c0_i32_0 : i32, i32
  }
  func.func @transform_5(%arg0: i32, %arg1: memref<17xi32, #tpu.memory_space<smem>>) -> (i32, i32, i32) {
    %get3A = arith.index_cast %arg0 : i32 to index
    %get3A_0 = memref.load %arg1[%get3A] : memref<17xi32, #tpu.memory_space<smem>>
    %c0_i32 = arith.constant 0 : i32
    %c0_i32_1 = arith.constant 0 : i32
    %c0_i32_2 = arith.constant 0 : i32
    return %get3A_0, %c0_i32, %c0_i32_1 : i32, i32, i32
  }
  func.func @transform_6(%arg0: i32, %arg1: memref<17xi32, #tpu.memory_space<smem>>) -> (i32, i32, i32) {
    %get3A = arith.index_cast %arg0 : i32 to index
    %get3A_0 = memref.load %arg1[%get3A] : memref<17xi32, #tpu.memory_space<smem>>
    %c0_i32 = arith.constant 0 : i32
    %c0_i32_1 = arith.constant 0 : i32
    %c0_i32_2 = arith.constant 0 : i32
    return %get3A_0, %c0_i32, %c0_i32_1 : i32, i32, i32
  }
  func.func @transform_7(%arg0: i32, %arg1: memref<17xi32, #tpu.memory_space<smem>>) -> (i32, i32) {
    %c0_i32 = arith.constant 0 : i32
    %c0_i32_0 = arith.constant 0 : i32
    return %arg0, %c0_i32 : i32, i32
  }
}

</mosaic_0001>

<sc_bundles>
// kernel: kernel.4.cloned.1.call-start
scs
__scs_entry_jumppad:
0x0: {  	(pc) =	sbr.rel $0x88, $3  }
0x1: {  	(tag) =	ssettag $0x0;
	lr =	simm.s32 $0x1  }
0x2: {  	[smem:$0x3F99] =	sst lr;
	_ =	strace $0xD0000000  }
0x3: {  	_ = 	snop  }
0x4: {  	_ = 	snop  }
0x5: {  	_ = 	snop  }
0x6: {  	_ = 	snop  }
0x7: {  	_ = 	snop  }
__scs_overlays_trampoline_lowered:
0x8: {  	[smem:$0x3FA8] =	sst s0  }
0x9: {  	[smem:$0x3FA9] =	sst s1  }
0xa: {  	[smem:$0x3FAA] =	sst s2  }
0xb: {  	[smem:$0x3FAB] =	sst s3  }
0xc: {  	[smem:$0x3FAC] =	sst s4  }
0xd: {  	[smem:$0x3FAD] =	sst s5  }
0xe: {  	[smem:$0x3FAE] =	sst s6  }
0xf: {  	[smem:$0x3FAF] =	sst s7  }
0x10: {  	[smem:$0x3FB0] =	sst s8  }
0x11: {  	[smem:$0x3FB1] =	sst s9;
	s0 =	simm.s32 @!p0 $0x0  }
0x12: {  	s1 =	sld [smem:$0x3F97];
	s0 =	simm.s32 @p0 $0x1  }
0x13: {  	[smem:$0x3FB2] =	sst s0;
	s0 =	simm.s32 @!p1 $0x0  }
0x14: {  	s2 =	sld [smem:$0x3F96];
	s0 =	simm.s32 @p1 $0x1  }
0x15: {  	[smem:$0x3FB3] =	sst s0;
	s0 =	simm.s32 @!p2 $0x0  }
0x16: {  	s3 =	sld [smem:$0x3FDB];
	s0 =	simm.s32 @p2 $0x1  }
0x17: {  	s4 =	simm.s32 $0x1BF5;
	[smem:$0x3FB5] =	sst s0  }
0x18: {  	s0 =	sld [smem:$0x3F98];
	_ =	swait.ge [sflag:s4], $0x0  }
0x19: {  	s7 =	sld [smem:$0x3F99]  }
0x1a: {  	s8 =	sadd.s32 $0xFFFFE003, lr  }
0x1b: {  	s9 =	sadd.s32 $0xFFFFFEF7, lr;
	s5 =	simm.s32 $0xFFFFFFFF;
	p2 =	slt.u32 s8, $0xFFFFF086  }
0x1c: {  	p1 =	slt.u32 s9, $0xF7A;
	s5 =	simm.s32 @!p2 $0x0  }
0x1d: {  	s5 =	simm.s32 @p1 $0x1;
	p0 =	seq.s32 s7, s2  }
0x1e: {  	s7 =	smul.u32 @!p0 $0xF7A, s2;
	p2 =	seq.s32 @!p0 s5, $0x0  }
0x1f: {  	s9 =	smul.u32 $0xF7A, s1;
	s8 =	simm.s32 @!p0 $0x1BF5;
	p2 =	por !p2, p0  }
0x20: {  	[sflag:s8] =	ssyncset.s32 @!p0 $0xFFFFF086;
	s6 =	sadd.s32 @!p0 s3, s7;
	s7 =	simm.s32 @!p0 $0x108  }
0x21: {  	s3 =	sadd.s32 s3, s9;
	s6 =	sadd.s32 @!p0 $0x88, s6;
	s7 =	simm.s32 @p2 $0x1082  }
0x22: {  	[simem:s7], [sflag:s8] =	dma.local @!p0 [hbm:s6], $0xF7A  }
0x23: {  	s9 =	sor.u32 $0xD0000000, s2;
	s6 =	simm.s32 $0x108;
	_ =	swait.ge @!p0 [sflag:s8], $0x0  }
0x24: {  	s3 =	sadd.s32 $0x88, s3;
	s6 =	simm.s32 @!p1 $0x1082;
	[sflag:s4] =	ssyncset.s32 $0xFFFFF086  }
0x25: {  	[simem:s6], [sflag:s4] =	dma.local [hbm:s3], $0xF7A  }
0x26: {  	[smem:$0x3F99] =	sst s1;
	(tag) =	ssettag s2;
	_ =	strace s9  }
0x27: {  	s1 =	sld [smem:$0x3FA9]  }
0x28: {  	s2 =	sld [smem:$0x3FAA]  }
0x29: {  	s4 =	sld [smem:$0x3FAC]  }
0x2a: {  	p0 =	seq.s32 s5, $0x0;
	s5 =	sld [smem:$0x3FAD]  }
0x2b: {  	s6 =	sld [smem:$0x3FAE]  }
0x2c: {  	s7 =	sld [smem:$0x3FAF]  }
0x2d: {  	s3 =	simm.s32 $0x108;
	s8 =	sld [smem:$0x3FB0]  }
0x2e: {  	s3 =	simm.s32 @!p0 $0x1082;
	s9 =	sld [smem:$0x3FB1]  }
0x2f: {  	lr =	sadd.s32 s0, s3;
	s0 =	sld [smem:$0x3FA8]  }
0x30: {  	s3 =	sld [smem:$0x3FAB]  }
0x31: {  	[smem:$0x3FB4] =	sst s10  }
0x32: {  	s10 =	sld [smem:$0x3FB2];
	_ =	sdelay $0x3  }
0x33: {  	p0 =	seq.s32 s10, $0x1;
	s10 =	sld [smem:$0x3FB4];
	_ =	sdelay $0x3  }
0x34: {  	[smem:$0x3FB4] =	sst s10  }
0x35: {  	s10 =	sld [smem:$0x3FB3];
	_ =	sdelay $0x3  }
0x36: {  	p1 =	seq.s32 s10, $0x1;
	s10 =	sld [smem:$0x3FB4];
	_ =	sdelay $0x3  }
0x37: {  	[smem:$0x3FB4] =	sst s10  }
0x38: {  	s10 =	sld [smem:$0x3FB5]  }
0x39: {  	_ = 	snop;
	(pc) =	sbr.ind lr, $3  }
0x3a: {  	_ = 	snop  }
0x3b: {  	_ = 	snop  }
0x3c: {  	p2 =	seq.s32 s10, $0x1;
	s10 =	sld [smem:$0x3FB4]  }
0x3d: {  	_ =	shalt  }
0x3e: {  	_ =	shalt  }
0x3f: {  	_ =	shalt  }
0x40: {  	_ =	shalt  }
0x41: {  	_ =	shalt  }
0x42: {  	_ =	shalt  }
0x43: {  	_ =	shalt  }
0x44: {  	_ =	shalt  }
0x45: {  	_ =	shalt  }
0x46: {  	_ =	shalt  }
0x47: {  	_ =	shalt  }
0x48: {  	_ =	shalt  }
0x49: {  	_ =	shalt  }
0x4a: {  	_ =	shalt  }
0x4b: {  	_ =	shalt  }
0x4c: {  	_ =	shalt  }
0x4d: {  	_ =	shalt  }
0x4e: {  	_ =	shalt  }
0x4f: {  	_ =	shalt  }
0x50: {  	_ =	shalt  }
0x51: {  	_ =	shalt  }
0x52: {  	_ =	shalt  }
0x53: {  	_ =	shalt  }
0x54: {  	_ =	shalt  }
0x55: {  	_ =	shalt  }
0x56: {  	_ =	shalt  }
0x57: {  	_ =	shalt  }
0x58: {  	_ =	shalt  }
0x59: {  	_ =	shalt  }
0x5a: {  	_ =	shalt  }
0x5b: {  	_ =	shalt  }
0x5c: {  	_ =	shalt  }
0x5d: {  	_ =	shalt  }
0x5e: {  	_ =	shalt  }
0x5f: {  	_ =	shalt  }
0x60: {  	_ =	shalt  }
0x61: {  	_ =	shalt  }
0x62: {  	_ =	shalt  }
0x63: {  	_ =	shalt  }
0x64: {  	_ =	shalt  }
0x65: {  	_ =	shalt  }
0x66: {  	_ =	shalt  }
0x67: {  	_ =	shalt  }
0x68: {  	_ =	shalt  }
0x69: {  	_ =	shalt  }
0x6a: {  	_ =	shalt  }
0x6b: {  	_ =	shalt  }
0x6c: {  	_ =	shalt  }
0x6d: {  	_ =	shalt  }
0x6e: {  	_ =	shalt  }
0x6f: {  	_ =	shalt  }
0x70: {  	_ =	shalt  }
0x71: {  	_ =	shalt  }
0x72: {  	_ =	shalt  }
0x73: {  	_ =	shalt  }
0x74: {  	_ =	shalt  }
0x75: {  	_ =	shalt  }
0x76: {  	_ =	shalt  }
0x77: {  	_ =	shalt  }
0x78: {  	_ =	shalt  }
0x79: {  	_ =	shalt  }
0x7a: {  	_ =	shalt  }
0x7b: {  	_ =	shalt  }
0x7c: {  	_ =	shalt  }
0x7d: {  	_ =	shalt  }
0x7e: {  	_ =	shalt  }
0x7f: {  	_ =	shalt  }
0x80: {  	_ =	shalt  }
0x81: {  	_ =	shalt  }
0x82: {  	_ =	shalt  }
0x83: {  	_ =	shalt  }
0x84: {  	_ =	shalt  }
0x85: {  	_ =	shalt  }
0x86: {  	_ =	shalt  }
0x87: {  	_ =	shalt  }
.Lfunc_end0:
.L_simem_size_0:
called_computation_lowered:
.L_overlay_start_0:
0x88: {  	s2 =	sld [smem:$0x3FD9]  }
0x89: {  	s3 =	sld [smem:$0x3FFE];
	_ =	sdelay $0x1  }
0x8a: {  	s1 =	srdreg.scid  }
0x8b: {  	s0 =	sand.u32 $0x1, s1  }
0x8c: {  	s17 =	sshll.u32 s0, $0xA;
	s2 =	sadd.s32 s3, s2  }
0x8d: {  	s2 =	sadd.s32 s2, s17  }
0x8e: {  	[smem:$0x3FC0] =	sst s2  }
0x8f: {  	_ = 	snop  }
0x90: {  	s2 =	sld [smem:$0x3FD0];
	(tm) =	ssettm $0x1  }
0x91: {  	s18 =	sld [smem:$0x3FFB];
	_ =	sdelay $0x3  }
0x92: {  	_ =	strace s18  }
0x93: {  	s3 =	sld [smem:$0x3FFC];
	_ =	sdelay $0x3  }
0x94: {  	_ =	strace s3  }
0x95: {  	s3 =	sld [smem:$0x3FFD];
	_ =	sdelay $0x3  }
0x96: {  	_ =	strace s3  }
0x97: {  	_ =	strace $0x8FFFFFFF  }
0x98: {  	s19 =	sld [smem:$0x3FDB];
	_ =	sdelay $0x1  }
0x99: {  	s4 =	simm.s32 $_scs_section_size  }
0x9a: {  	s5 =	simm.s32 $_size__tile_overlayer_lowered;
	s6 =	simm.s32 $_tile_overlayer_lowered  }
0x9b: {  	s22 =	simm.s32 $0x1BFF;
	s21 =	sshll.u32 s6, $0x1;
	s3 =	sadd.s32 s4, s19  }
0x9c: {  	s7 =	simm.s32 $0x0;
	s20 =	sshll.u32 s5, $0x1;
	s5 =	sadd.s32 s21, s3  }
0x9d: {  	[timem:s7], [sflag:s22] =	dma.local [hbm:s5], s20  }
0x9e: {  	_ =	swait.ge [sflag:s22], s20  }
0x9f: {  	s4 =	ssub.s32 $0x0, s20;
	[sflag:s22] =	ssyncset.done $0x0  }
0xa0: {  	[sflag:s22] =	ssyncadd.s32 s4;
	_ =	sdelay $0x1  }
0xa1: {  	s23 =	simm.s32 $0x1B8B  }
0xa2: {  	_ =	swait.ge [sflag:s23], $0x1  }
0xa3: {  	[sflag:s23] =	ssyncset.done $0x0  }
0xa4: {  	s25 =	simm.s32 $0x1B8E;
	s24 =	sld [smem:$0x3FFE];
	[sflag:s23] =	ssyncadd.s32 $0xFFFFFFFF  }
0xa5: {  	s26 =	simm.s32 $execute0_lowered;
	[smem:$0x3FD2] =	sst s25  }
0xa6: {  	s5 =	sshll.u32 s26, $0x1;
	_ =	strace $0x80000046;
	[dreg:$0x1] =	wrdreg $0xFFFFFFFF  }
0xa7: {  	s28 =	simm.s32 $_size_execute0_lowered;
	s3 =	sadd.s32 s3, s5;
	[dreg:$0x0] =	wrdreg $0x0  }
0xa8: {  	s5 =	sshll.u32 s28, $0x1;
	[dreg:$0x2] =	wrdreg s3  }
0xa9: {  	[dreg:$0x3] =	wrdreg s5  }
0xaa: {  	[dreg:$0x4] =	wrdreg $0xC0  }
0xab: {  	_ =	task [dreg:s7], $0x5FFFF  }
0xac: {  	[dreg:$0x1] =	wrdreg $0xFFFFFFFF  }
0xad: {  	[dreg:$0x0] =	wrdreg $0x60  }
0xae: {  	[dreg:$0x2] =	wrdreg s2  }
0xaf: {  	[dreg:$0x3] =	wrdreg s24  }
0xb0: {  	[dreg:$0x4] =	wrdreg $0x9  }
0xb1: {  	_ =	task.clear_ibuf [dreg:s7], $0x5FFFF;
	_ =	strace $0x90000046  }
0xb2: {  	s29 =	simm.s32 $0x9;
	_ =	strace $0x80000048  }
0xb3: {  	_ =	swait.ge [sflag:s29], $0x1  }
0xb4: {  	[sflag:s29] =	ssyncadd.s32 $0xFFFFFFFF  }
0xb5: {  	_ =	strace $0x90000048  }
0xb6: {  	_ =	sfence  }
0xb7: {  	s30 =	sld [smem:$0x0];
	_ =	sdelay $0x2  }
0xb8: {  	s31 =	sshll.u32 s1, $0xD;
	s1 =	sshrl.u32 s1, $0x2  }
0xb9: {  	s3 =	sand.u32 $0x4000, s31;
	s1 =	sadd.s32 s1, s30  }
0xba: {  	s0 =	sor.u32 s3, s0;
	s1 =	sshll.u32 s1, $0x11  }
0xbb: {  	s0 =	sor.u32 s1, s0  }
0xbc: {  	s0 =	sadd.s32 $0x8F2B, s0  }
0xbd: {  	[sflag:s0] =	ssyncadd.remote.s32 $0x1  }
0xbe: {  	_ =	sfence.sel $0xFFFF  }
0xbf: {  	[dreg:$0x0] =	wrdreg $0xFFFFFFFF;
	(pc) =	sbr.abs _section_cstart, $3  }
0xc0: {  	[dreg:$0x1] =	wrdreg $0xFFFFFFFF  }
0xc1: {  	_ =	task.clear_ibuf [dreg:s7], $0x2FFFF;
	_ =	strace $0x9FFFFFFF  }
0xc2: {  	(tm) =	ssettm $0x7FFFFFFF  }
0xc3: {  	_ =	shalt  }
tec
execute0_lowered:
.L_overlay_start_1:
0x0: {  	(tag) =	ssettag $0x1  }
0x1: {  	s1 =	rddreg [dreg:$0x0]  }
0x2: {  	s0 =	rddreg [dreg:$0x1]  }
0x3: {  	s4 =	srdreg.scid;
	s3 =	simm.s32 $0x0;
	s2 =	stileid.u32  }
0x4: {  	s13 =	simm.s32 $0x3;
	s14 =	simm.s32 $0x80;
	s15 =	simm.s32 $0x880  }
0x5: {  	s16 =	simm.s32 $0x1080;
	s17 =	simm.s32 $0x1880;
	s18 =	simm.s32 $0x2080  }
0x6: {  	s19 =	simm.s32 $0x2880;
	s20 =	simm.s32 $0x3080;
	s21 =	simm.s32 $0x3880  }
0x7: {  	s22 =	simm.s32 $0x4080;
	s28 =	simm.s32 $0x6880;
	s29 =	simm.s32 $0x7080  }
0x8: {  	s30 =	simm.s32 $0x7880;
	s31 =	simm.s32 $0x1;
	s4 =	sand.u32 $0x1, s4  }
0x9: {  	[smem:$0x7FF] =	sst s3;
	s5 =	sshll.u32 s2, $0x8;
	s6 =	sshll.u32 s4, $0x7  }
0xa: {  	_ =	strace $0x80000047;
	s4 =	ssub.s32 $0x2, s4;
	s5 =	sor.u32 s6, s5  }
0xb: {  	s23 =	sshrl.u32 s4, $0x1;
	s6 =	sshll.u32 s5, $0x7;
	s5 =	sshrl.u32 s5, $0x3  }
0xc: {  	s12 =	ssub.s32 s4, s23;
	s4 =	sadd.s32 $0x100, s1;
	s23 =	simm.s32 $0x4880  }
0xd: {  	s11 =	sadd.s32 s6, s0;
	s0 =	sadd.s32 s0, s5;
	s5 =	sadd.s32 $0x200, s1  }
0xe: {  	s6 =	sadd.s32 $0x300, s1;
	s12 =	smax.u32 s12, $0x1;
	[dreg:$0x3] =	wrdreg s0  }
0xf: {  	s24 =	sadd.s32 $0x200, s11;
	s25 =	sadd.s32 $0xA00, s11;
	s26 =	sadd.s32 $0x1200, s11  }
0x10: {  	s7 =	sadd.s32 $0x1A00, s11;
	s8 =	sadd.s32 $0x2200, s11;
	[dreg:$0x4] =	wrdreg s24  }
0x11: {  	v2 =	vlaneseq.u32;
	s9 =	sadd.s32 $0x2A00, s11;
	s10 =	sadd.s32 $0x3200, s11;
	[dreg:$0x5] =	wrdreg s25  }
0x12: {  	vm0 =	vmmov $0xffff;
	v1 =	vshrl.u32 v2, $0x3;
	s11 =	sadd.s32 $0x3A00, s11;
	s0 =	simm.s32 $0x2;
	[dreg:$0x6] =	wrdreg s26  }
0x13: {  	v0 =	vand.u32 $0x7, v2;
	v2 =	vor.u32 $0x8, v2;
	v1 =	vmul.u32 $0x8, v1;
	s24 =	simm.s32 $0x5080;
	s25 =	simm.s32 $0x5880;
	s26 =	simm.s32 $0x6080  }
.LBB2_1:
0x14: {  	s2 =	rddreg [dreg:$0x3]  }
0x15: {  	[tilespmem:s3], [sflag:$0x3] =	stream.linear.gather [hbm4b:s2+s3], $0x80, $0x38;
	[tilespmem:$0x8080] =	vst v63  }
0x16: {  	_ =	swait.ge [sflag:s13], $0x80  }
0x17: {  	[sflag:s13] =	ssyncset.done $0x0  }
0x18: {  	[sflag:s13] =	ssyncadd.s32 $0xFFFFFF80  }
0x19: {  	v3 =	vld [tilespmem:$0x0];
	_ =	sdelay $0x4  }
0x1a: {  	v4 =	vshll.u32 v3, $0x3  }
0x1b: {  	v3 =	vand.u32 $0x7, v3;
	v4 =	vand.u32 $0xFFFFFFC0, v4  }
0x1c: {  	v3 =	vor.u32 v3, v4  }
0x1d: {  	v4 =	vperm.xlane v3, v0;
	_ =	sdelay $0x1  }
0x1e: {  	v4 =	vadd.s32 v1, v4;
	_ =	sdelay $0x4  }
0x1f: {  	[tilespmem:s14], [sflag:$0x1] =	stream.indirect_vreg.gather [hbm4b:s1+s3], $0x80, v4, vm0, $0xb8;
	[tilespmem:$0x8080] =	vst v63  }
0x20: {  	v3 =	vperm.xlane v3, v2  }
0x21: {  	[tilespmem:s15], [sflag:$0x1] =	stream.indirect_vreg.gather [hbm4b:s4+s3], $0x80, v4, vm0, $0xb8;
	[tilespmem:$0x8080] =	vst v63  }
0x22: {  	v3 =	vadd.s32 v1, v3  }
0x23: {  	[tilespmem:s16], [sflag:$0x1] =	stream.indirect_vreg.gather [hbm4b:s5+s3], $0x80, v4, vm0, $0xb8;
	[tilespmem:$0x8080] =	vst v63  }
0x24: {  	_ = 	snop  }
0x25: {  	[tilespmem:s17], [sflag:$0x1] =	stream.indirect_vreg.gather [hbm4b:s6+s3], $0x80, v4, vm0, $0xb8;
	[tilespmem:$0x8080] =	vst v63  }
0x26: {  	_ = 	snop  }
0x27: {  	[tilespmem:s18], [sflag:$0x1] =	stream.indirect_vreg.gather [hbm4b:s1+s3], $0x80, v3, vm0, $0xb8;
	[tilespmem:$0x8080] =	vst v63  }
0x28: {  	_ = 	snop  }
0x29: {  	[tilespmem:s19], [sflag:$0x1] =	stream.indirect_vreg.gather [hbm4b:s4+s3], $0x80, v3, vm0, $0xb8;
	[tilespmem:$0x8080] =	vst v63  }
0x2a: {  	_ = 	snop  }
0x2b: {  	[tilespmem:s20], [sflag:$0x1] =	stream.indirect_vreg.gather [hbm4b:s5+s3], $0x80, v3, vm0, $0xb8;
	[tilespmem:$0x8080] =	vst v63  }
0x2c: {  	_ = 	snop  }
0x2d: {  	[tilespmem:s21], [sflag:$0x1] =	stream.indirect_vreg.gather [hbm4b:s6+s3], $0x80, v3, vm0, $0xb8;
	[tilespmem:$0x8080] =	vst v63  }
0x2e: {  	v3 =	vld [tilespmem:$0x10];
	_ =	sdelay $0x4  }
0x2f: {  	v57 =	vshll.u32 v3, $0x3  }
0x30: {  	v3 =	vand.u32 $0x7, v3;
	v4 =	vand.u32 $0xFFFFFFC0, v57  }
0x31: {  	v3 =	vor.u32 v3, v4  }
0x32: {  	v4 =	vperm.xlane v3, v0;
	_ =	sdelay $0x1  }
0x33: {  	v4 =	vadd.s32 v1, v4;
	_ =	sdelay $0x4  }
0x34: {  	[tilespmem:s22], [sflag:$0x2] =	stream.indirect_vreg.gather [hbm4b:s1+s3], $0x80, v4, vm0, $0xb8;
	[tilespmem:$0x8080] =	vst v63  }
0x35: {  	v3 =	vperm.xlane v3, v2  }
0x36: {  	[tilespmem:s23], [sflag:$0x2] =	stream.indirect_vreg.gather [hbm4b:s4+s3], $0x80, v4, vm0, $0xb8;
	[tilespmem:$0x8080] =	vst v63  }
0x37: {  	v3 =	vadd.s32 v1, v3  }
0x38: {  	[tilespmem:s24], [sflag:$0x2] =	stream.indirect_vreg.gather [hbm4b:s5+s3], $0x80, v4, vm0, $0xb8;
	[tilespmem:$0x8080] =	vst v63  }
0x39: {  	_ = 	snop  }
0x3a: {  	[tilespmem:s25], [sflag:$0x2] =	stream.indirect_vreg.gather [hbm4b:s6+s3], $0x80, v4, vm0, $0xb8;
	[tilespmem:$0x8080] =	vst v63  }
0x3b: {  	_ = 	snop  }
0x3c: {  	[tilespmem:s26], [sflag:$0x2] =	stream.indirect_vreg.gather [hbm4b:s1+s3], $0x80, v3, vm0, $0xb8;
	[tilespmem:$0x8080] =	vst v63  }
0x3d: {  	_ = 	snop  }
0x3e: {  	[tilespmem:s28], [sflag:$0x2] =	stream.indirect_vreg.gather [hbm4b:s4+s3], $0x80, v3, vm0, $0xb8;
	[tilespmem:$0x8080] =	vst v63  }
0x3f: {  	_ = 	snop  }
0x40: {  	[tilespmem:s29], [sflag:$0x2] =	stream.indirect_vreg.gather [hbm4b:s5+s3], $0x80, v3, vm0, $0xb8;
	[tilespmem:$0x8080] =	vst v63  }
0x41: {  	_ = 	snop  }
0x42: {  	[tilespmem:s30], [sflag:$0x2] =	stream.indirect_vreg.gather [hbm4b:s6+s3], $0x80, v3, vm0, $0xb8;
	[tilespmem:$0x8080] =	vst v63  }
0x43: {  	_ =	swait.ge [sflag:s31], $0x4000  }
0x44: {  	[sflag:s31] =	ssyncset.done $0x0  }
0x45: {  	s2 =	rddreg [dreg:$0x4];
	[sflag:s31] =	ssyncadd.s32 $0xFFFFC000  }
0x46: {  	[hbm4b:s2+s3] =	stream.linear.scatter [tilespmem:s14], [sflag:$0x3], $0x4000, $0x38;
	[tilespmem:$0x8080] =	vst v63  }
0x47: {  	_ =	swait.ge [sflag:s13], $0x4000  }
0x48: {  	[sflag:s13] =	ssyncset.done $0x0  }
0x49: {  	[sflag:s13] =	ssyncadd.s32 $0xFFFFC000  }
0x4a: {  	v3 =	vld [tilespmem:$0x20];
	_ =	sdelay $0x4  }
0x4b: {  	v58 =	vshll.u32 v3, $0x3  }
0x4c: {  	v3 =	vand.u32 $0x7, v3;
	v4 =	vand.u32 $0xFFFFFFC0, v58  }
0x4d: {  	v3 =	vor.u32 v3, v4  }
0x4e: {  	v4 =	vperm.xlane v3, v0;
	_ =	sdelay $0x1  }
0x4f: {  	v4 =	vadd.s32 v1, v4;
	_ =	sdelay $0x4  }
0x50: {  	[tilespmem:s14], [sflag:$0x1] =	stream.indirect_vreg.gather [hbm4b:s1+s3], $0x80, v4, vm0, $0xb8;
	[tilespmem:$0x8080] =	vst v63  }
0x51: {  	v3 =	vperm.xlane v3, v2  }
0x52: {  	[tilespmem:s15], [sflag:$0x1] =	stream.indirect_vreg.gather [hbm4b:s4+s3], $0x80, v4, vm0, $0xb8;
	[tilespmem:$0x8080] =	vst v63  }
0x53: {  	v3 =	vadd.s32 v1, v3  }
0x54: {  	[tilespmem:s16], [sflag:$0x1] =	stream.indirect_vreg.gather [hbm4b:s5+s3], $0x80, v4, vm0, $0xb8;
	[tilespmem:$0x8080] =	vst v63  }
0x55: {  	_ = 	snop  }
0x56: {  	[tilespmem:s17], [sflag:$0x1] =	stream.indirect_vreg.gather [hbm4b:s6+s3], $0x80, v4, vm0, $0xb8;
	[tilespmem:$0x8080] =	vst v63  }
0x57: {  	_ = 	snop  }
0x58: {  	[tilespmem:s18], [sflag:$0x1] =	stream.indirect_vreg.gather [hbm4b:s1+s3], $0x80, v3, vm0, $0xb8;
	[tilespmem:$0x8080] =	vst v63  }
0x59: {  	_ = 	snop  }
0x5a: {  	[tilespmem:s19], [sflag:$0x1] =	stream.indirect_vreg.gather [hbm4b:s4+s3], $0x80, v3, vm0, $0xb8;
	[tilespmem:$0x8080] =	vst v63  }
0x5b: {  	_ = 	snop  }
0x5c: {  	[tilespmem:s20], [sflag:$0x1] =	stream.indirect_vreg.gather [hbm4b:s5+s3], $0x80, v3, vm0, $0xb8;
	[tilespmem:$0x8080] =	vst v63  }
0x5d: {  	_ = 	snop  }
0x5e: {  	[tilespmem:s21], [sflag:$0x1] =	stream.indirect_vreg.gather [hbm4b:s6+s3], $0x80, v3, vm0, $0xb8;
	[tilespmem:$0x8080] =	vst v63  }
0x5f: {  	_ =	swait.ge [sflag:s0], $0x4000  }
0x60: {  	[sflag:s0] =	ssyncset.done $0x0  }
0x61: {  	s2 =	rddreg [dreg:$0x5];
	[sflag:s0] =	ssyncadd.s32 $0xFFFFC000  }
0x62: {  	[hbm4b:s2+s3] =	stream.linear.scatter [tilespmem:s22], [sflag:$0x3], $0x4000, $0x38;
	[tilespmem:$0x8080] =	vst v63  }
0x63: {  	_ =	swait.ge [sflag:s13], $0x4000  }
0x64: {  	[sflag:s13] =	ssyncset.done $0x0  }
0x65: {  	[sflag:s13] =	ssyncadd.s32 $0xFFFFC000  }
0x66: {  	v3 =	vld [tilespmem:$0x30];
	_ =	sdelay $0x4  }
0x67: {  	v59 =	vshll.u32 v3, $0x3  }
0x68: {  	v3 =	vand.u32 $0x7, v3;
	v4 =	vand.u32 $0xFFFFFFC0, v59  }
0x69: {  	v3 =	vor.u32 v3, v4  }
0x6a: {  	v4 =	vperm.xlane v3, v0;
	_ =	sdelay $0x1  }
0x6b: {  	v4 =	vadd.s32 v1, v4;
	_ =	sdelay $0x4  }
0x6c: {  	[tilespmem:s22], [sflag:$0x2] =	stream.indirect_vreg.gather [hbm4b:s1+s3], $0x80, v4, vm0, $0xb8;
	[tilespmem:$0x8080] =	vst v63  }
0x6d: {  	v3 =	vperm.xlane v3, v2  }
0x6e: {  	[tilespmem:s23], [sflag:$0x2] =	stream.indirect_vreg.gather [hbm4b:s4+s3], $0x80, v4, vm0, $0xb8;
	[tilespmem:$0x8080] =	vst v63  }
0x6f: {  	v3 =	vadd.s32 v1, v3  }
0x70: {  	[tilespmem:s24], [sflag:$0x2] =	stream.indirect_vreg.gather [hbm4b:s5+s3], $0x80, v4, vm0, $0xb8;
	[tilespmem:$0x8080] =	vst v63  }
0x71: {  	_ = 	snop  }
0x72: {  	[tilespmem:s25], [sflag:$0x2] =	stream.indirect_vreg.gather [hbm4b:s6+s3], $0x80, v4, vm0, $0xb8;
	[tilespmem:$0x8080] =	vst v63  }
0x73: {  	_ = 	snop  }
0x74: {  	[tilespmem:s26], [sflag:$0x2] =	stream.indirect_vreg.gather [hbm4b:s1+s3], $0x80, v3, vm0, $0xb8;
	[tilespmem:$0x8080] =	vst v63  }
0x75: {  	_ = 	snop  }
0x76: {  	[tilespmem:s28], [sflag:$0x2] =	stream.indirect_vreg.gather [hbm4b:s4+s3], $0x80, v3, vm0, $0xb8;
	[tilespmem:$0x8080] =	vst v63  }
0x77: {  	_ = 	snop  }
0x78: {  	[tilespmem:s29], [sflag:$0x2] =	stream.indirect_vreg.gather [hbm4b:s5+s3], $0x80, v3, vm0, $0xb8;
	[tilespmem:$0x8080] =	vst v63  }
0x79: {  	_ = 	snop  }
0x7a: {  	[tilespmem:s30], [sflag:$0x2] =	stream.indirect_vreg.gather [hbm4b:s6+s3], $0x80, v3, vm0, $0xb8;
	[tilespmem:$0x8080] =	vst v63  }
0x7b: {  	_ =	swait.ge [sflag:s31], $0x4000  }
0x7c: {  	[sflag:s31] =	ssyncset.done $0x0  }
0x7d: {  	s2 =	rddreg [dreg:$0x6];
	[sflag:s31] =	ssyncadd.s32 $0xFFFFC000  }
0x7e: {  	[hbm4b:s2+s3] =	stream.linear.scatter [tilespmem:s14], [sflag:$0x3], $0x4000, $0x38;
	[tilespmem:$0x8080] =	vst v63  }
0x7f: {  	_ =	swait.ge [sflag:s13], $0x4000  }
0x80: {  	[sflag:s13] =	ssyncset.done $0x0  }
0x81: {  	[sflag:s13] =	ssyncadd.s32 $0xFFFFC000  }
0x82: {  	v3 =	vld [tilespmem:$0x40];
	_ =	sdelay $0x4  }
0x83: {  	v60 =	vshll.u32 v3, $0x3  }
0x84: {  	v3 =	vand.u32 $0x7, v3;
	v4 =	vand.u32 $0xFFFFFFC0, v60  }
0x85: {  	v3 =	vor.u32 v3, v4  }
0x86: {  	v4 =	vperm.xlane v3, v0;
	_ =	sdelay $0x1  }
0x87: {  	v4 =	vadd.s32 v1, v4;
	_ =	sdelay $0x4  }
0x88: {  	[tilespmem:s14], [sflag:$0x1] =	stream.indirect_vreg.gather [hbm4b:s1+s3], $0x80, v4, vm0, $0xb8;
	[tilespmem:$0x8080] =	vst v63  }
0x89: {  	v3 =	vperm.xlane v3, v2  }
0x8a: {  	[tilespmem:s15], [sflag:$0x1] =	stream.indirect_vreg.gather [hbm4b:s4+s3], $0x80, v4, vm0, $0xb8;
	[tilespmem:$0x8080] =	vst v63  }
0x8b: {  	v3 =	vadd.s32 v1, v3  }
0x8c: {  	[tilespmem:s16], [sflag:$0x1] =	stream.indirect_vreg.gather [hbm4b:s5+s3], $0x80, v4, vm0, $0xb8;
	[tilespmem:$0x8080] =	vst v63  }
0x8d: {  	_ = 	snop  }
0x8e: {  	[tilespmem:s17], [sflag:$0x1] =	stream.indirect_vreg.gather [hbm4b:s6+s3], $0x80, v4, vm0, $0xb8;
	[tilespmem:$0x8080] =	vst v63  }
0x8f: {  	_ = 	snop  }
0x90: {  	[tilespmem:s18], [sflag:$0x1] =	stream.indirect_vreg.gather [hbm4b:s1+s3], $0x80, v3, vm0, $0xb8;
	[tilespmem:$0x8080] =	vst v63  }
0x91: {  	_ = 	snop  }
0x92: {  	[tilespmem:s19], [sflag:$0x1] =	stream.indirect_vreg.gather [hbm4b:s4+s3], $0x80, v3, vm0, $0xb8;
	[tilespmem:$0x8080] =	vst v63  }
0x93: {  	_ = 	snop  }
0x94: {  	[tilespmem:s20], [sflag:$0x1] =	stream.indirect_vreg.gather [hbm4b:s5+s3], $0x80, v3, vm0, $0xb8;
	[tilespmem:$0x8080] =	vst v63  }
0x95: {  	_ = 	snop  }
0x96: {  	[tilespmem:s21], [sflag:$0x1] =	stream.indirect_vreg.gather [hbm4b:s6+s3], $0x80, v3, vm0, $0xb8;
	[tilespmem:$0x8080] =	vst v63  }
0x97: {  	_ =	swait.ge [sflag:s0], $0x4000  }
0x98: {  	[sflag:s0] =	ssyncset.done $0x0  }
0x99: {  	[sflag:s0] =	ssyncadd.s32 $0xFFFFC000  }
0x9a: {  	[hbm4b:s7+s3] =	stream.linear.scatter [tilespmem:s22], [sflag:$0x3], $0x4000, $0x38;
	[tilespmem:$0x8080] =	vst v63  }
0x9b: {  	_ =	swait.ge [sflag:s13], $0x4000  }
0x9c: {  	[sflag:s13] =	ssyncset.done $0x0  }
0x9d: {  	[sflag:s13] =	ssyncadd.s32 $0xFFFFC000  }
0x9e: {  	v3 =	vld [tilespmem:$0x50];
	_ =	sdelay $0x4  }
0x9f: {  	v61 =	vshll.u32 v3, $0x3  }
0xa0: {  	v3 =	vand.u32 $0x7, v3;
	v4 =	vand.u32 $0xFFFFFFC0, v61  }
0xa1: {  	v3 =	vor.u32 v3, v4  }
0xa2: {  	v4 =	vperm.xlane v3, v0;
	_ =	sdelay $0x1  }
0xa3: {  	v4 =	vadd.s32 v1, v4;
	_ =	sdelay $0x4  }
0xa4: {  	[tilespmem:s22], [sflag:$0x2] =	stream.indirect_vreg.gather [hbm4b:s1+s3], $0x80, v4, vm0, $0xb8;
	[tilespmem:$0x8080] =	vst v63  }
0xa5: {  	v3 =	vperm.xlane v3, v2  }
0xa6: {  	[tilespmem:s23], [sflag:$0x2] =	stream.indirect_vreg.gather [hbm4b:s4+s3], $0x80, v4, vm0, $0xb8;
	[tilespmem:$0x8080] =	vst v63  }
0xa7: {  	v3 =	vadd.s32 v1, v3  }
0xa8: {  	[tilespmem:s24], [sflag:$0x2] =	stream.indirect_vreg.gather [hbm4b:s5+s3], $0x80, v4, vm0, $0xb8;
	[tilespmem:$0x8080] =	vst v63  }
0xa9: {  	_ = 	snop  }
0xaa: {  	[tilespmem:s25], [sflag:$0x2] =	stream.indirect_vreg.gather [hbm4b:s6+s3], $0x80, v4, vm0, $0xb8;
	[tilespmem:$0x8080] =	vst v63  }
0xab: {  	_ = 	snop  }
0xac: {  	[tilespmem:s26], [sflag:$0x2] =	stream.indirect_vreg.gather [hbm4b:s1+s3], $0x80, v3, vm0, $0xb8;
	[tilespmem:$0x8080] =	vst v63  }
0xad: {  	_ = 	snop  }
0xae: {  	[tilespmem:s28], [sflag:$0x2] =	stream.indirect_vreg.gather [hbm4b:s4+s3], $0x80, v3, vm0, $0xb8;
	[tilespmem:$0x8080] =	vst v63  }
0xaf: {  	_ = 	snop  }
0xb0: {  	[tilespmem:s29], [sflag:$0x2] =	stream.indirect_vreg.gather [hbm4b:s5+s3], $0x80, v3, vm0, $0xb8;
	[tilespmem:$0x8080] =	vst v63  }
0xb1: {  	_ = 	snop  }
0xb2: {  	[tilespmem:s30], [sflag:$0x2] =	stream.indirect_vreg.gather [hbm4b:s6+s3], $0x80, v3, vm0, $0xb8;
	[tilespmem:$0x8080] =	vst v63  }
0xb3: {  	_ =	swait.ge [sflag:s31], $0x4000  }
0xb4: {  	[sflag:s31] =	ssyncset.done $0x0  }
0xb5: {  	[sflag:s31] =	ssyncadd.s32 $0xFFFFC000  }
0xb6: {  	[hbm4b:s8+s3] =	stream.linear.scatter [tilespmem:s14], [sflag:$0x3], $0x4000, $0x38;
	[tilespmem:$0x8080] =	vst v63  }
0xb7: {  	_ =	swait.ge [sflag:s13], $0x4000  }
0xb8: {  	[sflag:s13] =	ssyncset.done $0x0  }
0xb9: {  	[sflag:s13] =	ssyncadd.s32 $0xFFFFC000  }
0xba: {  	v3 =	vld [tilespmem:$0x60];
	_ =	sdelay $0x4  }
0xbb: {  	v62 =	vshll.u32 v3, $0x3  }
0xbc: {  	v3 =	vand.u32 $0x7, v3;
	v4 =	vand.u32 $0xFFFFFFC0, v62  }
0xbd: {  	v3 =	vor.u32 v3, v4  }
0xbe: {  	v4 =	vperm.xlane v3, v0;
	_ =	sdelay $0x1  }
0xbf: {  	v4 =	vadd.s32 v1, v4;
	_ =	sdelay $0x4  }
0xc0: {  	[tilespmem:s14], [sflag:$0x1] =	stream.indirect_vreg.gather [hbm4b:s1+s3], $0x80, v4, vm0, $0xb8;
	[tilespmem:$0x8080] =	vst v63  }
0xc1: {  	v3 =	vperm.xlane v3, v2  }
0xc2: {  	[tilespmem:s15], [sflag:$0x1] =	stream.indirect_vreg.gather [hbm4b:s4+s3], $0x80, v4, vm0, $0xb8;
	[tilespmem:$0x8080] =	vst v63  }
0xc3: {  	v3 =	vadd.s32 v1, v3  }
0xc4: {  	[tilespmem:s16], [sflag:$0x1] =	stream.indirect_vreg.gather [hbm4b:s5+s3], $0x80, v4, vm0, $0xb8;
	[tilespmem:$0x8080] =	vst v63  }
0xc5: {  	_ = 	snop  }
0xc6: {  	[tilespmem:s17], [sflag:$0x1] =	stream.indirect_vreg.gather [hbm4b:s6+s3], $0x80, v4, vm0, $0xb8;
	[tilespmem:$0x8080] =	vst v63  }
0xc7: {  	_ = 	snop  }
0xc8: {  	[tilespmem:s18], [sflag:$0x1] =	stream.indirect_vreg.gather [hbm4b:s1+s3], $0x80, v3, vm0, $0xb8;
	[tilespmem:$0x8080] =	vst v63  }
0xc9: {  	_ = 	snop  }
0xca: {  	[tilespmem:s19], [sflag:$0x1] =	stream.indirect_vreg.gather [hbm4b:s4+s3], $0x80, v3, vm0, $0xb8;
	[tilespmem:$0x8080] =	vst v63  }
0xcb: {  	_ = 	snop  }
0xcc: {  	[tilespmem:s20], [sflag:$0x1] =	stream.indirect_vreg.gather [hbm4b:s5+s3], $0x80, v3, vm0, $0xb8;
	[tilespmem:$0x8080] =	vst v63  }
0xcd: {  	_ = 	snop  }
0xce: {  	[tilespmem:s21], [sflag:$0x1] =	stream.indirect_vreg.gather [hbm4b:s6+s3], $0x80, v3, vm0, $0xb8;
	[tilespmem:$0x8080] =	vst v63  }
0xcf: {  	_ =	swait.ge [sflag:s0], $0x4000  }
0xd0: {  	[sflag:s0] =	ssyncset.done $0x0  }
0xd1: {  	[sflag:s0] =	ssyncadd.s32 $0xFFFFC000  }
0xd2: {  	[hbm4b:s9+s3] =	stream.linear.scatter [tilespmem:s22], [sflag:$0x3], $0x4000, $0x38;
	[tilespmem:$0x8080] =	vst v63  }
0xd3: {  	_ =	swait.ge [sflag:s13], $0x4000  }
0xd4: {  	[sflag:s13] =	ssyncset.done $0x0  }
0xd5: {  	[sflag:s13] =	ssyncadd.s32 $0xFFFFC000  }
0xd6: {  	v3 =	vld [tilespmem:$0x70];
	_ =	sdelay $0x4  }
0xd7: {  	v63 =	vshll.u32 v3, $0x3  }
0xd8: {  	v3 =	vand.u32 $0x7, v3;
	v4 =	vand.u32 $0xFFFFFFC0, v63  }
0xd9: {  	v3 =	vor.u32 v3, v4  }
0xda: {  	v4 =	vperm.xlane v3, v0;
	_ =	sdelay $0x1  }
0xdb: {  	v4 =	vadd.s32 v1, v4;
	_ =	sdelay $0x4  }
0xdc: {  	[tilespmem:s22], [sflag:$0x2] =	stream.indirect_vreg.gather [hbm4b:s1+s3], $0x80, v4, vm0, $0xb8;
	[tilespmem:$0x8080] =	vst v63  }
0xdd: {  	v3 =	vperm.xlane v3, v2  }
0xde: {  	[tilespmem:s23], [sflag:$0x2] =	stream.indirect_vreg.gather [hbm4b:s4+s3], $0x80, v4, vm0, $0xb8;
	[tilespmem:$0x8080] =	vst v63  }
0xdf: {  	v3 =	vadd.s32 v1, v3  }
0xe0: {  	[tilespmem:s24], [sflag:$0x2] =	stream.indirect_vreg.gather [hbm4b:s5+s3], $0x80, v4, vm0, $0xb8;
	[tilespmem:$0x8080] =	vst v63  }
0xe1: {  	_ = 	snop  }
0xe2: {  	[tilespmem:s25], [sflag:$0x2] =	stream.indirect_vreg.gather [hbm4b:s6+s3], $0x80, v4, vm0, $0xb8;
	[tilespmem:$0x8080] =	vst v63  }
0xe3: {  	_ = 	snop  }
0xe4: {  	[tilespmem:s26], [sflag:$0x2] =	stream.indirect_vreg.gather [hbm4b:s1+s3], $0x80, v3, vm0, $0xb8;
	[tilespmem:$0x8080] =	vst v63  }
0xe5: {  	_ = 	snop  }
0xe6: {  	[tilespmem:s28], [sflag:$0x2] =	stream.indirect_vreg.gather [hbm4b:s4+s3], $0x80, v3, vm0, $0xb8;
	[tilespmem:$0x8080] =	vst v63  }
0xe7: {  	_ = 	snop  }
0xe8: {  	[tilespmem:s29], [sflag:$0x2] =	stream.indirect_vreg.gather [hbm4b:s5+s3], $0x80, v3, vm0, $0xb8;
	[tilespmem:$0x8080] =	vst v63  }
0xe9: {  	_ = 	snop  }
0xea: {  	[tilespmem:s30], [sflag:$0x2] =	stream.indirect_vreg.gather [hbm4b:s6+s3], $0x80, v3, vm0, $0xb8;
	[tilespmem:$0x8080] =	vst v63  }
0xeb: {  	_ =	swait.ge [sflag:s31], $0x4000  }
0xec: {  	[sflag:s31] =	ssyncset.done $0x0  }
0xed: {  	[sflag:s31] =	ssyncadd.s32 $0xFFFFC000  }
0xee: {  	[hbm4b:s10+s3] =	stream.linear.scatter [tilespmem:s14], [sflag:$0x3], $0x4000, $0x38;
	[tilespmem:$0x8080] =	vst v63  }
0xef: {  	_ =	swait.ge [sflag:s13], $0x4000  }
0xf0: {  	[sflag:s13] =	ssyncset.done $0x0  }
0xf1: {  	[sflag:s13] =	ssyncadd.s32 $0xFFFFC000  }
0xf2: {  	_ =	swait.ge [sflag:s0], $0x4000  }
0xf3: {  	p0 =	sne.s32 s12, $0x1;
	[sflag:s0] =	ssyncset.done $0x0  }
.Ltmp0:
0xf4: {  	[sflag:s0] =	ssyncadd.s32 $0xFFFFC000;
	(pc) =	sbr.rel @p0 .LBB2_1-.Ltmp0, $4  }
0xf5: {  	[hbm4b:s11+s3] =	stream.linear.scatter [tilespmem:s22], [sflag:$0x3], $0x4000, $0x38;
	[tilespmem:$0x8080] =	vst v63  }
0xf6: {  	_ =	swait.ge [sflag:s13], $0x4000  }
0xf7: {  	[sflag:s13] =	ssyncset.done $0x0  }
0xf8: {  	s12 =	sadd.s32 $0xFFFFFFFF, s12;
	[sflag:s13] =	ssyncadd.s32 $0xFFFFC000  }
0xf9: {  	_ =	sfence.sel $0x180000  }
0xfa: {  	[bflag:$0x0] =	sbarrier.arrive $0xFFFF  }
0xfb: {  	_ =	strace $0x90000047  }
0xfc: {  	s0 =	stileid.u32;
	[bflag:$0x2] =	sbarrier.arrive $0xFFFF  }
0xfd: {  	p0 =	sne.s32 s0, $0x0;
	s0 =	rddreg [dreg:$0x2]  }
0xfe: {  	s0 =	sadd.s32 @!p0 $0x100000, s0  }
0xff: {  	[sflag:s0] =	ssyncadd.tile.s32 @!p0 $0x1;
	_ =	shalt  }
.Lfunc_end2:
_tile_overlayer_lowered:
.L_overlay_start_2:
0x100: {  	(tag) =	ssettag $0x2  }
0x101: {  	s0 =	rddreg [dreg:$0x0];
	s2 =	stileid.u32  }
0x102: {  	s1 =	rddreg [dreg:$0x1];
	p0 =	sne.s32 s2, $0x0  }
0x103: {  	s3 =	rddreg [dreg:$0x2];
	[bflag:$0x3] =	sbarrier.arrive $0xFFFF;
	s2 =	simm.s32 @!p0 $0x1C03  }
0x104: {  	[timem:s3], [sflag:s2] =	dma.local @!p0 [hbm:s0], s1  }
0x105: {  	s0 =	simm.s32 @!p0 $0x3  }
0x106: {  	_ =	swait.ge @!p0 [sflag:s0], s1  }
0x107: {  	s1 =	ssub.s32 @!p0 $0x0, s1;
	[sflag:s0] =	ssyncset.done @!p0 $0x0  }
0x108: {  	[sflag:s0] =	ssyncadd.s32 @!p0 s1  }
0x109: {  	[bflag:$0x3] =	sbarrier.arrive $0xFFFF  }
0x10a: {  	_ =	shalt  }

</sc_bundles>
